<compile_context>
chip_gen: v7x
topology: tpu7x:2x2x1
jax: 0.10.2.dev20260603
libtpu: 0.0.44.dev20260713+nightly
codegen_flags: <defaults>
</compile_context>

<pallas_src>
import functools

import jax
import jax.numpy as jnp
from jax import lax
from jax.experimental import pallas as pl
from jax.experimental.pallas import tpu as pltpu
from jax.experimental.pallas import tpu_sc as plsc

_N = 10000
_E = 320000
_NC = 2
_NS = 16
_NW = _NC * _NS
_L = 16

_EW = (_E // (_NW * 128)) * 128
_XTRA = _E - _NW * _EW
_NX = _XTRA // 128

_mesh = plsc.VectorSubcoreMesh(
    core_axis_name="c", subcore_axis_name="s", num_cores=_NC, num_subcores=_NS
)

_sc_params = pltpu.CompilerParams(needs_layout_passes=False)


def _worker_id():
    return lax.axis_index("c") * _NS + lax.axis_index("s")


@functools.partial(
    pl.kernel,
    out_type=jax.ShapeDtypeStruct((_NW, _N), jnp.float32),
    mesh=_mesh,
    scratch_types=[
        pltpu.VMEM((2, _EW), jnp.int32),
        pltpu.VMEM((2, 128), jnp.int32),
        pltpu.VMEM((_N,), jnp.float32),
        pltpu.SemaphoreType.DMA,
    ],
    compiler_params=_sc_params,
)
def _deg_partials(ei_hbm, out_hbm, win_v, xwin_v, hist_v, wsem):
    wid = _worker_id()
    zero16 = jnp.zeros((_L,), jnp.float32)

    ewin = pltpu.async_copy(ei_hbm.at[:, pl.ds(wid * _EW, _EW)], win_v, wsem)

    @plsc.parallel_loop(0, _N // _L, 1, unroll=8)
    def _zero(i):
        hist_v[pl.ds(i * _L, _L)] = zero16

    ewin.wait()

    ones16 = jnp.ones((_L,), jnp.float32)

    @plsc.parallel_loop(0, _EW // _L, 1, unroll=8)
    def _scat(i):
        idx = win_v[1, pl.ds(i * _L, _L)]
        plsc.addupdate_scatter(hist_v, [idx], ones16)

    @pl.when(wid < _NX)
    def _extra():
        pltpu.sync_copy(ei_hbm.at[:, pl.ds(_NW * _EW + wid * 128, 128)], xwin_v)

        @plsc.parallel_loop(0, 128 // _L, 1, unroll=8)
        def _xscat(i):
            idx = xwin_v[1, pl.ds(i * _L, _L)]
            plsc.addupdate_scatter(hist_v, [idx], ones16)

    pltpu.sync_copy(hist_v, out_hbm.at[wid])


@functools.partial(
    pl.kernel,
    out_type=jax.ShapeDtypeStruct((_NW, _N), jnp.float32),
    mesh=_mesh,
    scratch_types=[
        pltpu.VMEM((_N,), jnp.float32),
        pltpu.VMEM((2, _EW), jnp.int32),
        pltpu.VMEM((2, 128), jnp.int32),
        pltpu.VMEM((_N,), jnp.float32),
        pltpu.SemaphoreType.DMA,
    ],
    compiler_params=_sc_params,
)
def _t_partials(ei_hbm, dinv_hbm, out_hbm, dinv_v, win_v, xwin_v, hist_v, wsem):
    wid = _worker_id()
    zero16 = jnp.zeros((_L,), jnp.float32)

    @plsc.parallel_loop(0, _N // _L, 1, unroll=8)
    def _zero(i):
        hist_v[pl.ds(i * _L, _L)] = zero16

    pltpu.sync_copy(dinv_hbm, dinv_v)
    pltpu.sync_copy(ei_hbm.at[:, pl.ds(wid * _EW, _EW)], win_v)

    @plsc.parallel_loop(0, _EW // _L, 1, unroll=8)
    def _edge(i):
        d = win_v[1, pl.ds(i * _L, _L)]
        srcs = win_v[0, pl.ds(i * _L, _L)]
        vals = plsc.load_gather(dinv_v, [d])
        plsc.addupdate_scatter(hist_v, [srcs], vals)

    @pl.when(wid < _NX)
    def _extra():
        pltpu.sync_copy(ei_hbm.at[:, pl.ds(_NW * _EW + wid * 128, 128)], xwin_v)

        @plsc.parallel_loop(0, 128 // _L, 1, unroll=8)
        def _xedge(i):
            d = xwin_v[1, pl.ds(i * _L, _L)]
            srcs = xwin_v[0, pl.ds(i * _L, _L)]
            vals = plsc.load_gather(dinv_v, [d])
            plsc.addupdate_scatter(hist_v, [srcs], vals)

    pltpu.sync_copy(hist_v, out_hbm.at[wid])


def _dinv_body(part_ref, out_ref):
    deg = jnp.sum(part_ref[...], axis=0) + 1.0
    out_ref[...] = lax.rsqrt(deg)


_dinv_call = pl.pallas_call(
    _dinv_body,
    out_shape=jax.ShapeDtypeStruct((_N,), jnp.float32),
)


def _final_body(tpart_ref, dinv_ref, f_ref, wg_ref, bg_ref, out_ref):
    dinv = dinv_ref[...][None, :]
    t = jnp.sum(tpart_ref[...], axis=0, keepdims=True)
    coef = dinv * (t + dinv)
    r = jnp.dot(coef, f_ref[...], preferred_element_type=jnp.float32)
    o = jnp.dot(r, wg_ref[...], preferred_element_type=jnp.float32)
    out_ref[...] = (o + _N * bg_ref[...]) * (1.0 / 16.0)


_final_call = pl.pallas_call(
    _final_body,
    out_shape=jax.ShapeDtypeStruct((1, 64), jnp.float32),
)


def kernel(features, edge_index, W_gcn, b_gcn, W1, b1, W2, b2):
    deg_part = _deg_partials(edge_index)
    dinv = _dinv_call(deg_part)
    t_part = _t_partials(edge_index, dinv)
    return _final_call(t_part, dinv, features, W_gcn, b_gcn.reshape(1, -1))

# --- scband reference (transcript-rebuilt; emitter-appended) ---
"""Pipeline reference for scband-sage-67551245631656 (READ-ONLY COPY).

The authoritative reference and input builder live on the scoring server;
editing this copy changes nothing except your own understanding.
"""

import jax, jax.numpy as jnp
import numpy as np

N = 10000
E = 320000
D_IN = 128
D_GCN = 64
D_H1 = 32
D_H2 = 16

def _uniform(key, shape, fan_in):
    s = 1.0 / np.sqrt(fan_in)
    return jax.random.uniform(key, shape, minval=-s, maxval=s, dtype=jnp.float32)

def setup_inputs(seed: int = 0):
    key = jax.random.key(seed)
    ks = jax.random.split(key, 8)
    features = jax.random.normal(ks[0], (N, D_IN), dtype=jnp.float32)
    edge_index = jax.random.randint(ks[1], (2, E), 0, N)
    W_gcn = _uniform(ks[2], (D_IN, D_GCN), D_IN)
    b_gcn = jnp.zeros((D_GCN,), dtype=jnp.float32)
    W1 = _uniform(ks[3], (D_GCN, D_H1), D_GCN)
    b1 = _uniform(ks[4], (D_H1,), D_GCN)
    W2 = _uniform(ks[5], (D_H1, D_H2), D_H1)
    b2 = _uniform(ks[6], (D_H2,), D_H1)
    return {"features": features, "edge_index": edge_index, "W_gcn": W_gcn, "b_gcn": b_gcn, "W1": W1, "b1": b1, "W2": W2, "b2": b2}

def _gcn_conv(x, edge_index, W, b):
    # GCNConv with edge_weight=1.0, add_self_loops=True, symmetric normalization
    n = x.shape[0]
    loop = jnp.arange(n, dtype=edge_index.dtype)
    src = jnp.concatenate([edge_index[0], loop])
    dst = jnp.concatenate([edge_index[1], loop])
    ew = jnp.ones(src.shape[0], dtype=x.dtype)
    deg = jnp.zeros((n,), dtype=x.dtype).at[dst].add(ew)
    dinv = jnp.where(deg > 0, jax.lax.rsqrt(jnp.maximum(deg, 1e-12)), 0.0)
    norm = dinv[src] * ew * dinv[dst]
    xw = x @ W
    msg = xw[src] * norm[:, None]
    out = jnp.zeros((n, xw.shape[1]), dtype=x.dtype).at[dst].add(msg)
    return out + b

def reference(features, edge_index, W_gcn, b_gcn, W1, b1, W2, b2):
    node_features_2 = _gcn_conv(features, edge_index, W_gcn, b_gcn)
    abstract_features_1 = jnp.tanh(node_features_2 @ W1 + b1)
    assignment = jax.nn.softmax(abstract_features_1 @ W2 + b2, axis=1)
    graph_embedding = assignment.T @ node_features_2
    graph_embedding = jnp.mean(graph_embedding, axis=0, keepdims=True)
    return graph_embedding

if __name__ == "__main__":
    import jax
    _d = setup_inputs()
    print(jax.jit(kernel)(*tuple(_d.values())))

</pallas_src>

<mosaic_0001>
#map = affine_map<(d0, d1) -> (0, 0)>
module attributes {stable_mosaic.version = 14 : i64} {
  func.func @_deg_partials(%arg0: i32, %arg1: i32, %arg2: memref<2x320000xi32, #tpu.memory_space<hbm>>, %arg3: memref<32x10000xf32, #tpu.memory_space<hbm>>, %arg4: memref<2x9984xi32, #tpu.memory_space<vmem>>, %arg5: memref<2x128xi32, #tpu.memory_space<vmem>>, %arg6: memref<10000xf32, #tpu.memory_space<vmem>>, %arg7: memref<!tpu.dma_semaphore, #tpu.memory_space<semaphore_mem>>) attributes {dimension_semantics = [#tpu.dimension_semantics<core_parallel>, #tpu.dimension_semantics<subcore_parallel>], iteration_bounds = array<i64: 2, 16>, scalar_prefetch = 0 : i64, scratch_operands = 4 : i64, tpu.core_type = #tpu.core_type<sc_vector_subcore>, window_params = [{transform_indices = #map}, {transform_indices = #map}]} {
    %mul3A = arith.constant 16 : i32
    %mul3A_0 = arith.muli %arg0, %mul3A : i32
    %add3A = arith.addi %mul3A_0, %arg1 : i32
    %broadcast_in_dim3A = arith.constant 0.000000e+00 : f32
    %broadcast_in_dim3A_1 = vector.broadcast %broadcast_in_dim3A : f32 to vector<16xf32>
    %mul3A_2 = arith.constant 9984 : i32
    %mul3A_3 = arith.muli %add3A, %mul3A_2 : i32
    %dma_start3A = arith.constant 0 : i32
    %dma_start3A_4 = tpu.memref_slice %arg2[%dma_start3A, %mul3A_3] : memref<2x320000xi32, #tpu.memory_space<hbm>> -> memref<2x9984xi32, #tpu.memory_space<hbm>>
    %dma_start3A_5 = arith.constant 0 : i32
    %dma_start3A_6 = tpu.memref_slice %arg2[%dma_start3A_5, %mul3A_3] : memref<2x320000xi32, #tpu.memory_space<hbm>> -> memref<2x9984xi32, #tpu.memory_space<hbm>>
    tpu.enqueue_dma source(%dma_start3A_6 : memref<2x9984xi32, #tpu.memory_space<hbm>>) target(%arg4 : memref<2x9984xi32, #tpu.memory_space<vmem>>) target_semaphore(%arg7 : memref<!tpu.dma_semaphore, #tpu.memory_space<semaphore_mem>>)
    %parallel_loop3A = arith.constant 0 : i32
    %parallel_loop3A_7 = arith.constant 625 : i32
    %parallel_loop3A_8 = arith.constant 1 : i32
    scf.for %parallel_loop3A_19 = %parallel_loop3A to %parallel_loop3A_7 step %parallel_loop3A_8  : i32 {
      %parallel_loop3A_20 = arith.constant 16 : i32
      %parallel_loop3A_21 = arith.muli %parallel_loop3A_19, %parallel_loop3A_20 : i32
      %parallel_loop3A_22 = arith.index_cast %parallel_loop3A_21 : i32 to index
      %parallel_loop3A_23 = tpu.vector_load %arg6[%parallel_loop3A_22] {strides = array<i32>} : memref<10000xf32, #tpu.memory_space<vmem>>, vector<16xf32>,
      tpu.vector_store %arg6[%parallel_loop3A_22], %broadcast_in_dim3A_1 {strides = array<i32>} : memref<10000xf32, #tpu.memory_space<vmem>>, vector<16xf32>,
    } {sc.loop_unroll_factor = 8 : i64, sc.parallel_access}
    %dma_wait3A = arith.constant 0 : i32
    %dma_wait3A_9 = tpu.memref_slice %arg2[%dma_wait3A, %mul3A_3] : memref<2x320000xi32, #tpu.memory_space<hbm>> -> memref<2x9984xi32, #tpu.memory_space<hbm>>
    %dma_wait3A_10 = arith.constant 0 : i32
    %dma_wait3A_11 = tpu.memref_slice %arg2[%dma_wait3A_10, %mul3A_3] : memref<2x320000xi32, #tpu.memory_space<hbm>> -> memref<2x9984xi32, #tpu.memory_space<hbm>>
    tpu.wait_dma2 semaphore(%arg7 : memref<!tpu.dma_semaphore, #tpu.memory_space<semaphore_mem>>) src(%dma_wait3A_11 : memref<2x9984xi32, #tpu.memory_space<hbm>>) dst(%arg4 : memref<2x9984xi32, #tpu.memory_space<vmem>>)
    %broadcast_in_dim3A_12 = arith.constant 1.000000e+00 : f32
    %broadcast_in_dim3A_13 = vector.broadcast %broadcast_in_dim3A_12 : f32 to vector<16xf32>
    %parallel_loop3A_14 = arith.constant 0 : i32
    %parallel_loop3A_15 = arith.constant 624 : i32
    %parallel_loop3A_16 = arith.constant 1 : i32
    scf.for %parallel_loop3A_19 = %parallel_loop3A_14 to %parallel_loop3A_15 step %parallel_loop3A_16  : i32 {
      %parallel_loop3A_20 = arith.constant 16 : i32
      %parallel_loop3A_21 = arith.muli %parallel_loop3A_19, %parallel_loop3A_20 : i32
      %parallel_loop3A_22 = arith.constant 1 : i32
      %parallel_loop3A_23 = arith.index_cast %parallel_loop3A_22 : i32 to index
      %parallel_loop3A_24 = arith.index_cast %parallel_loop3A_21 : i32 to index
      %parallel_loop3A_25 = tpu.vector_load %arg4[%parallel_loop3A_23, %parallel_loop3A_24] {strides = array<i32>} : memref<2x9984xi32, #tpu.memory_space<vmem>>, vector<16xi32>,
      tpu.vector_store_idx %arg6[%parallel_loop3A_25], %broadcast_in_dim3A_13 {add = true} : memref<10000xf32, #tpu.memory_space<vmem>>[vector<16xi32>], vector<16xf32>,
    } {sc.loop_unroll_factor = 8 : i64, sc.parallel_access}
    %lt3A = arith.constant 4 : i32
    %lt3A_17 = arith.cmpi slt, %add3A, %lt3A : i32
    %convert_element_type3A = arith.extui %lt3A_17 : i1 to i32
    %cond3A = arith.constant 0 : i32
    %cond3A_18 = arith.cmpi ne, %convert_element_type3A, %cond3A : i32
    scf.if %cond3A_18 {
      %mul3A_19 = arith.constant 128 : i32
      %mul3A_20 = arith.muli %add3A, %mul3A_19 : i32
      %add3A_21 = arith.constant 319488 : i32
      %add3A_22 = arith.addi %add3A_21, %mul3A_20 : i32
      "tpu.region"() ({
        %run_scoped3A = tpu.sem_alloc : memref<!tpu.dma_semaphore, #tpu.memory_space<semaphore_mem>>
        %dma_start3A_26 = arith.constant 0 : i32
        %dma_start3A_27 = tpu.memref_slice %arg2[%dma_start3A_26, %add3A_22] : memref<2x320000xi32, #tpu.memory_space<hbm>> -> memref<2x128xi32, #tpu.memory_space<hbm>>
        %dma_start3A_28 = arith.constant 0 : i32
        %dma_start3A_29 = tpu.memref_slice %arg2[%dma_start3A_28, %add3A_22] : memref<2x320000xi32, #tpu.memory_space<hbm>> -> memref<2x128xi32, #tpu.memory_space<hbm>>
        tpu.enqueue_dma source(%dma_start3A_29 : memref<2x128xi32, #tpu.memory_space<hbm>>) target(%arg5 : memref<2x128xi32, #tpu.memory_space<vmem>>) target_semaphore(%run_scoped3A : memref<!tpu.dma_semaphore, #tpu.memory_space<semaphore_mem>>)
        %dma_wait3A_30 = arith.constant 0 : i32
        %dma_wait3A_31 = tpu.memref_slice %arg2[%dma_wait3A_30, %add3A_22] : memref<2x320000xi32, #tpu.memory_space<hbm>> -> memref<2x128xi32, #tpu.memory_space<hbm>>
        %dma_wait3A_32 = arith.constant 0 : i32
        %dma_wait3A_33 = tpu.memref_slice %arg2[%dma_wait3A_32, %add3A_22] : memref<2x320000xi32, #tpu.memory_space<hbm>> -> memref<2x128xi32, #tpu.memory_space<hbm>>
        tpu.wait_dma2 semaphore(%run_scoped3A : memref<!tpu.dma_semaphore, #tpu.memory_space<semaphore_mem>>) src(%dma_wait3A_33 : memref<2x128xi32, #tpu.memory_space<hbm>>) dst(%arg5 : memref<2x128xi32, #tpu.memory_space<vmem>>)
        tpu.yield
      }) : () -> ()
      %parallel_loop3A_23 = arith.constant 0 : i32
      %parallel_loop3A_24 = arith.constant 8 : i32
      %parallel_loop3A_25 = arith.constant 1 : i32
      scf.for %parallel_loop3A_26 = %parallel_loop3A_23 to %parallel_loop3A_24 step %parallel_loop3A_25  : i32 {
        %parallel_loop3A_27 = arith.constant 16 : i32
        %parallel_loop3A_28 = arith.muli %parallel_loop3A_26, %parallel_loop3A_27 : i32
        %parallel_loop3A_29 = arith.constant 1 : i32
        %parallel_loop3A_30 = arith.index_cast %parallel_loop3A_29 : i32 to index
        %parallel_loop3A_31 = arith.index_cast %parallel_loop3A_28 : i32 to index
        %parallel_loop3A_32 = tpu.vector_load %arg5[%parallel_loop3A_30, %parallel_loop3A_31] {strides = array<i32>} : memref<2x128xi32, #tpu.memory_space<vmem>>, vector<16xi32>,
        tpu.vector_store_idx %arg6[%parallel_loop3A_32], %broadcast_in_dim3A_13 {add = true} : memref<10000xf32, #tpu.memory_space<vmem>>[vector<16xi32>], vector<16xf32>,
      } {sc.loop_unroll_factor = 8 : i64, sc.parallel_access}
    } else {
    }
    "tpu.region"() ({
      %run_scoped3A = tpu.sem_alloc : memref<!tpu.dma_semaphore, #tpu.memory_space<semaphore_mem>>
      %dma_start3A_19 = arith.constant 0 : i32
      %dma_start3A_20 = tpu.memref_slice %arg3[%add3A, %dma_start3A_19] : memref<32x10000xf32, #tpu.memory_space<hbm>> -> memref<1x10000xf32, #tpu.memory_space<hbm>>
      %dma_start3A_21 = tpu.memref_squeeze %dma_start3A_20 : memref<1x10000xf32, #tpu.memory_space<hbm>> -> memref<10000xf32, #tpu.memory_space<hbm>>
      %dma_start3A_22 = arith.constant 0 : i32
      %dma_start3A_23 = tpu.memref_slice %arg3[%add3A, %dma_start3A_22] : memref<32x10000xf32, #tpu.memory_space<hbm>> -> memref<1x10000xf32, #tpu.memory_space<hbm>>
      %dma_start3A_24 = tpu.memref_squeeze %dma_start3A_23 : memref<1x10000xf32, #tpu.memory_space<hbm>> -> memref<10000xf32, #tpu.memory_space<hbm>>
      tpu.enqueue_dma source(%arg6 : memref<10000xf32, #tpu.memory_space<vmem>>) target(%dma_start3A_24 : memref<10000xf32, #tpu.memory_space<hbm>>) target_semaphore(%run_scoped3A : memref<!tpu.dma_semaphore, #tpu.memory_space<semaphore_mem>>)
      %dma_wait3A_25 = arith.constant 0 : i32
      %dma_wait3A_26 = tpu.memref_slice %arg3[%add3A, %dma_wait3A_25] : memref<32x10000xf32, #tpu.memory_space<hbm>> -> memref<1x10000xf32, #tpu.memory_space<hbm>>
      %dma_wait3A_27 = tpu.memref_squeeze %dma_wait3A_26 : memref<1x10000xf32, #tpu.memory_space<hbm>> -> memref<10000xf32, #tpu.memory_space<hbm>>
      %dma_wait3A_28 = arith.constant 0 : i32
      %dma_wait3A_29 = tpu.memref_slice %arg3[%add3A, %dma_wait3A_28] : memref<32x10000xf32, #tpu.memory_space<hbm>> -> memref<1x10000xf32, #tpu.memory_space<hbm>>
      %dma_wait3A_30 = tpu.memref_squeeze %dma_wait3A_29 : memref<1x10000xf32, #tpu.memory_space<hbm>> -> memref<10000xf32, #tpu.memory_space<hbm>>
      tpu.wait_dma2 semaphore(%run_scoped3A : memref<!tpu.dma_semaphore, #tpu.memory_space<semaphore_mem>>) src(%arg6 : memref<10000xf32, #tpu.memory_space<vmem>>) dst(%dma_wait3A_30 : memref<10000xf32, #tpu.memory_space<hbm>>)
      tpu.yield
    }) : () -> ()
    return
  }
}

#map = affine_map<(d0, d1) -> (0, 0)>
#map1 = affine_map<(d0, d1) -> (0)>
module attributes {stable_mosaic.version = 14 : i64} {
  func.func @_t_partials(%arg0: i32, %arg1: i32, %arg2: memref<2x320000xi32, #tpu.memory_space<hbm>>, %arg3: memref<10000xf32, #tpu.memory_space<hbm>>, %arg4: memref<32x10000xf32, #tpu.memory_space<hbm>>, %arg5: memref<10000xf32, #tpu.memory_space<vmem>>, %arg6: memref<2x9984xi32, #tpu.memory_space<vmem>>, %arg7: memref<2x128xi32, #tpu.memory_space<vmem>>, %arg8: memref<10000xf32, #tpu.memory_space<vmem>>, %arg9: memref<!tpu.dma_semaphore, #tpu.memory_space<semaphore_mem>>) attributes {dimension_semantics = [#tpu.dimension_semantics<core_parallel>, #tpu.dimension_semantics<subcore_parallel>], iteration_bounds = array<i64: 2, 16>, scalar_prefetch = 0 : i64, scratch_operands = 5 : i64, tpu.core_type = #tpu.core_type<sc_vector_subcore>, window_params = [{transform_indices = #map}, {transform_indices = #map1}, {transform_indices = #map}]} {
    %mul3A = arith.constant 16 : i32
    %mul3A_0 = arith.muli %arg0, %mul3A : i32
    %add3A = arith.addi %mul3A_0, %arg1 : i32
    %broadcast_in_dim3A = arith.constant 0.000000e+00 : f32
    %broadcast_in_dim3A_1 = vector.broadcast %broadcast_in_dim3A : f32 to vector<16xf32>
    %parallel_loop3A = arith.constant 0 : i32
    %parallel_loop3A_2 = arith.constant 625 : i32
    %parallel_loop3A_3 = arith.constant 1 : i32
    scf.for %parallel_loop3A_11 = %parallel_loop3A to %parallel_loop3A_2 step %parallel_loop3A_3  : i32 {
      %parallel_loop3A_12 = arith.constant 16 : i32
      %parallel_loop3A_13 = arith.muli %parallel_loop3A_11, %parallel_loop3A_12 : i32
      %parallel_loop3A_14 = arith.index_cast %parallel_loop3A_13 : i32 to index
      %parallel_loop3A_15 = tpu.vector_load %arg8[%parallel_loop3A_14] {strides = array<i32>} : memref<10000xf32, #tpu.memory_space<vmem>>, vector<16xf32>,
      tpu.vector_store %arg8[%parallel_loop3A_14], %broadcast_in_dim3A_1 {strides = array<i32>} : memref<10000xf32, #tpu.memory_space<vmem>>, vector<16xf32>,
    } {sc.loop_unroll_factor = 8 : i64, sc.parallel_access}
    "tpu.region"() ({
      %run_scoped3A = tpu.sem_alloc : memref<!tpu.dma_semaphore, #tpu.memory_space<semaphore_mem>>
      tpu.enqueue_dma source(%arg3 : memref<10000xf32, #tpu.memory_space<hbm>>) target(%arg5 : memref<10000xf32, #tpu.memory_space<vmem>>) target_semaphore(%run_scoped3A : memref<!tpu.dma_semaphore, #tpu.memory_space<semaphore_mem>>)
      tpu.wait_dma2 semaphore(%run_scoped3A : memref<!tpu.dma_semaphore, #tpu.memory_space<semaphore_mem>>) src(%arg3 : memref<10000xf32, #tpu.memory_space<hbm>>) dst(%arg5 : memref<10000xf32, #tpu.memory_space<vmem>>)
      tpu.yield
    }) : () -> ()
    %mul3A_4 = arith.constant 9984 : i32
    %mul3A_5 = arith.muli %add3A, %mul3A_4 : i32
    "tpu.region"() ({
      %run_scoped3A = tpu.sem_alloc : memref<!tpu.dma_semaphore, #tpu.memory_space<semaphore_mem>>
      %dma_start3A = arith.constant 0 : i32
      %dma_start3A_11 = tpu.memref_slice %arg2[%dma_start3A, %mul3A_5] : memref<2x320000xi32, #tpu.memory_space<hbm>> -> memref<2x9984xi32, #tpu.memory_space<hbm>>
      %dma_start3A_12 = arith.constant 0 : i32
      %dma_start3A_13 = tpu.memref_slice %arg2[%dma_start3A_12, %mul3A_5] : memref<2x320000xi32, #tpu.memory_space<hbm>> -> memref<2x9984xi32, #tpu.memory_space<hbm>>
      tpu.enqueue_dma source(%dma_start3A_13 : memref<2x9984xi32, #tpu.memory_space<hbm>>) target(%arg6 : memref<2x9984xi32, #tpu.memory_space<vmem>>) target_semaphore(%run_scoped3A : memref<!tpu.dma_semaphore, #tpu.memory_space<semaphore_mem>>)
      %dma_wait3A = arith.constant 0 : i32
      %dma_wait3A_14 = tpu.memref_slice %arg2[%dma_wait3A, %mul3A_5] : memref<2x320000xi32, #tpu.memory_space<hbm>> -> memref<2x9984xi32, #tpu.memory_space<hbm>>
      %dma_wait3A_15 = arith.constant 0 : i32
      %dma_wait3A_16 = tpu.memref_slice %arg2[%dma_wait3A_15, %mul3A_5] : memref<2x320000xi32, #tpu.memory_space<hbm>> -> memref<2x9984xi32, #tpu.memory_space<hbm>>
      tpu.wait_dma2 semaphore(%run_scoped3A : memref<!tpu.dma_semaphore, #tpu.memory_space<semaphore_mem>>) src(%dma_wait3A_16 : memref<2x9984xi32, #tpu.memory_space<hbm>>) dst(%arg6 : memref<2x9984xi32, #tpu.memory_space<vmem>>)
      tpu.yield
    }) : () -> ()
    %parallel_loop3A_6 = arith.constant 0 : i32
    %parallel_loop3A_7 = arith.constant 624 : i32
    %parallel_loop3A_8 = arith.constant 1 : i32
    scf.for %parallel_loop3A_11 = %parallel_loop3A_6 to %parallel_loop3A_7 step %parallel_loop3A_8  : i32 {
      %parallel_loop3A_12 = arith.constant 16 : i32
      %parallel_loop3A_13 = arith.muli %parallel_loop3A_11, %parallel_loop3A_12 : i32
      %parallel_loop3A_14 = arith.constant 1 : i32
      %parallel_loop3A_15 = arith.index_cast %parallel_loop3A_14 : i32 to index
      %parallel_loop3A_16 = arith.index_cast %parallel_loop3A_13 : i32 to index
      %parallel_loop3A_17 = tpu.vector_load %arg6[%parallel_loop3A_15, %parallel_loop3A_16] {strides = array<i32>} : memref<2x9984xi32, #tpu.memory_space<vmem>>, vector<16xi32>,
      %parallel_loop3A_18 = arith.constant 16 : i32
      %parallel_loop3A_19 = arith.muli %parallel_loop3A_11, %parallel_loop3A_18 : i32
      %parallel_loop3A_20 = arith.constant 0 : i32
      %parallel_loop3A_21 = arith.index_cast %parallel_loop3A_20 : i32 to index
      %parallel_loop3A_22 = arith.index_cast %parallel_loop3A_19 : i32 to index
      %parallel_loop3A_23 = tpu.vector_load %arg6[%parallel_loop3A_21, %parallel_loop3A_22] {strides = array<i32>} : memref<2x9984xi32, #tpu.memory_space<vmem>>, vector<16xi32>,
      %parallel_loop3A_24 = tpu.vector_load_idx %arg5[%parallel_loop3A_17] : memref<10000xf32, #tpu.memory_space<vmem>>[vector<16xi32>], vector<16xf32>,
      tpu.vector_store_idx %arg8[%parallel_loop3A_23], %parallel_loop3A_24 {add = true} : memref<10000xf32, #tpu.memory_space<vmem>>[vector<16xi32>], vector<16xf32>,
    } {sc.loop_unroll_factor = 8 : i64, sc.parallel_access}
    %lt3A = arith.constant 4 : i32
    %lt3A_9 = arith.cmpi slt, %add3A, %lt3A : i32
    %convert_element_type3A = arith.extui %lt3A_9 : i1 to i32
    %cond3A = arith.constant 0 : i32
    %cond3A_10 = arith.cmpi ne, %convert_element_type3A, %cond3A : i32
    scf.if %cond3A_10 {
      %mul3A_11 = arith.constant 128 : i32
      %mul3A_12 = arith.muli %add3A, %mul3A_11 : i32
      %add3A_13 = arith.constant 319488 : i32
      %add3A_14 = arith.addi %add3A_13, %mul3A_12 : i32
      "tpu.region"() ({
        %run_scoped3A = tpu.sem_alloc : memref<!tpu.dma_semaphore, #tpu.memory_space<semaphore_mem>>
        %dma_start3A = arith.constant 0 : i32
        %dma_start3A_18 = tpu.memref_slice %arg2[%dma_start3A, %add3A_14] : memref<2x320000xi32, #tpu.memory_space<hbm>> -> memref<2x128xi32, #tpu.memory_space<hbm>>
        %dma_start3A_19 = arith.constant 0 : i32
        %dma_start3A_20 = tpu.memref_slice %arg2[%dma_start3A_19, %add3A_14] : memref<2x320000xi32, #tpu.memory_space<hbm>> -> memref<2x128xi32, #tpu.memory_space<hbm>>
        tpu.enqueue_dma source(%dma_start3A_20 : memref<2x128xi32, #tpu.memory_space<hbm>>) target(%arg7 : memref<2x128xi32, #tpu.memory_space<vmem>>) target_semaphore(%run_scoped3A : memref<!tpu.dma_semaphore, #tpu.memory_space<semaphore_mem>>)
        %dma_wait3A = arith.constant 0 : i32
        %dma_wait3A_21 = tpu.memref_slice %arg2[%dma_wait3A, %add3A_14] : memref<2x320000xi32, #tpu.memory_space<hbm>> -> memref<2x128xi32, #tpu.memory_space<hbm>>
        %dma_wait3A_22 = arith.constant 0 : i32
        %dma_wait3A_23 = tpu.memref_slice %arg2[%dma_wait3A_22, %add3A_14] : memref<2x320000xi32, #tpu.memory_space<hbm>> -> memref<2x128xi32, #tpu.memory_space<hbm>>
        tpu.wait_dma2 semaphore(%run_scoped3A : memref<!tpu.dma_semaphore, #tpu.memory_space<semaphore_mem>>) src(%dma_wait3A_23 : memref<2x128xi32, #tpu.memory_space<hbm>>) dst(%arg7 : memref<2x128xi32, #tpu.memory_space<vmem>>)
        tpu.yield
      }) : () -> ()
      %parallel_loop3A_15 = arith.constant 0 : i32
      %parallel_loop3A_16 = arith.constant 8 : i32
      %parallel_loop3A_17 = arith.constant 1 : i32
      scf.for %parallel_loop3A_18 = %parallel_loop3A_15 to %parallel_loop3A_16 step %parallel_loop3A_17  : i32 {
        %parallel_loop3A_19 = arith.constant 16 : i32
        %parallel_loop3A_20 = arith.muli %parallel_loop3A_18, %parallel_loop3A_19 : i32
        %parallel_loop3A_21 = arith.constant 1 : i32
        %parallel_loop3A_22 = arith.index_cast %parallel_loop3A_21 : i32 to index
        %parallel_loop3A_23 = arith.index_cast %parallel_loop3A_20 : i32 to index
        %parallel_loop3A_24 = tpu.vector_load %arg7[%parallel_loop3A_22, %parallel_loop3A_23] {strides = array<i32>} : memref<2x128xi32, #tpu.memory_space<vmem>>, vector<16xi32>,
        %parallel_loop3A_25 = arith.constant 16 : i32
        %parallel_loop3A_26 = arith.muli %parallel_loop3A_18, %parallel_loop3A_25 : i32
        %parallel_loop3A_27 = arith.constant 0 : i32
        %parallel_loop3A_28 = arith.index_cast %parallel_loop3A_27 : i32 to index
        %parallel_loop3A_29 = arith.index_cast %parallel_loop3A_26 : i32 to index
        %parallel_loop3A_30 = tpu.vector_load %arg7[%parallel_loop3A_28, %parallel_loop3A_29] {strides = array<i32>} : memref<2x128xi32, #tpu.memory_space<vmem>>, vector<16xi32>,
        %parallel_loop3A_31 = tpu.vector_load_idx %arg5[%parallel_loop3A_24] : memref<10000xf32, #tpu.memory_space<vmem>>[vector<16xi32>], vector<16xf32>,
        tpu.vector_store_idx %arg8[%parallel_loop3A_30], %parallel_loop3A_31 {add = true} : memref<10000xf32, #tpu.memory_space<vmem>>[vector<16xi32>], vector<16xf32>,
      } {sc.loop_unroll_factor = 8 : i64, sc.parallel_access}
    } else {
    }
    "tpu.region"() ({
      %run_scoped3A = tpu.sem_alloc : memref<!tpu.dma_semaphore, #tpu.memory_space<semaphore_mem>>
      %dma_start3A = arith.constant 0 : i32
      %dma_start3A_11 = tpu.memref_slice %arg4[%add3A, %dma_start3A] : memref<32x10000xf32, #tpu.memory_space<hbm>> -> memref<1x10000xf32, #tpu.memory_space<hbm>>
      %dma_start3A_12 = tpu.memref_squeeze %dma_start3A_11 : memref<1x10000xf32, #tpu.memory_space<hbm>> -> memref<10000xf32, #tpu.memory_space<hbm>>
      %dma_start3A_13 = arith.constant 0 : i32
      %dma_start3A_14 = tpu.memref_slice %arg4[%add3A, %dma_start3A_13] : memref<32x10000xf32, #tpu.memory_space<hbm>> -> memref<1x10000xf32, #tpu.memory_space<hbm>>
      %dma_start3A_15 = tpu.memref_squeeze %dma_start3A_14 : memref<1x10000xf32, #tpu.memory_space<hbm>> -> memref<10000xf32, #tpu.memory_space<hbm>>
      tpu.enqueue_dma source(%arg8 : memref<10000xf32, #tpu.memory_space<vmem>>) target(%dma_start3A_15 : memref<10000xf32, #tpu.memory_space<hbm>>) target_semaphore(%run_scoped3A : memref<!tpu.dma_semaphore, #tpu.memory_space<semaphore_mem>>)
      %dma_wait3A = arith.constant 0 : i32
      %dma_wait3A_16 = tpu.memref_slice %arg4[%add3A, %dma_wait3A] : memref<32x10000xf32, #tpu.memory_space<hbm>> -> memref<1x10000xf32, #tpu.memory_space<hbm>>
      %dma_wait3A_17 = tpu.memref_squeeze %dma_wait3A_16 : memref<1x10000xf32, #tpu.memory_space<hbm>> -> memref<10000xf32, #tpu.memory_space<hbm>>
      %dma_wait3A_18 = arith.constant 0 : i32
      %dma_wait3A_19 = tpu.memref_slice %arg4[%add3A, %dma_wait3A_18] : memref<32x10000xf32, #tpu.memory_space<hbm>> -> memref<1x10000xf32, #tpu.memory_space<hbm>>
      %dma_wait3A_20 = tpu.memref_squeeze %dma_wait3A_19 : memref<1x10000xf32, #tpu.memory_space<hbm>> -> memref<10000xf32, #tpu.memory_space<hbm>>
      tpu.wait_dma2 semaphore(%run_scoped3A : memref<!tpu.dma_semaphore, #tpu.memory_space<semaphore_mem>>) src(%arg8 : memref<10000xf32, #tpu.memory_space<vmem>>) dst(%dma_wait3A_20 : memref<10000xf32, #tpu.memory_space<hbm>>)
      tpu.yield
    }) : () -> ()
    return
  }
}

module attributes {stable_mosaic.version = 14 : i64} {
  func.func @_final_body(%arg0: memref<32x10000xf32, #tpu.memory_space<vmem>>, %arg1: memref<10000xf32, #tpu.memory_space<vmem>>, %arg2: memref<10000x128xf32, #tpu.memory_space<vmem>>, %arg3: memref<128x64xf32, #tpu.memory_space<vmem>>, %arg4: memref<1x64xf32, #tpu.memory_space<vmem>>, %arg5: memref<1x64xf32, #tpu.memory_space<vmem>>) attributes {dimension_semantics = [], scalar_prefetch = 0 : i64, scratch_operands = 0 : i64, tpu.core_type = #tpu.core_type<tc>} {
    %get3A = arith.constant 0 : index
    %get3A_0 = vector.load %arg1[%get3A] : memref<10000xf32, #tpu.memory_space<vmem>>, vector<10000xf32>
    %broadcast_in_dim3A = vector.shape_cast %get3A_0 : vector<10000xf32> to vector<1x10000xf32>
    %get3A_1 = arith.constant 0 : index
    %get3A_2 = arith.constant 0 : index
    %get3A_3 = vector.load %arg0[%get3A_1, %get3A_2] : memref<32x10000xf32, #tpu.memory_space<vmem>>, vector<32x10000xf32>
    %reduce_sum3A = arith.constant dense<0.000000e+00> : vector<10000xf32>
    %reduce_sum3A_4 = vector.multi_reduction <add>, %get3A_3, %reduce_sum3A [0] : vector<32x10000xf32> to vector<10000xf32>
    %broadcast_in_dim3A_5 = vector.shape_cast %reduce_sum3A_4 : vector<10000xf32> to vector<1x10000xf32>
    %add3A = arith.addf %broadcast_in_dim3A_5, %broadcast_in_dim3A : vector<1x10000xf32>
    %mul3A = arith.mulf %broadcast_in_dim3A, %add3A : vector<1x10000xf32>
    %get3A_6 = arith.constant 0 : index
    %get3A_7 = arith.constant 0 : index
    %get3A_8 = vector.load %arg2[%get3A_6, %get3A_7] : memref<10000x128xf32, #tpu.memory_space<vmem>>, vector<10000x128xf32>
    %dot_general3A = arith.constant dense<0.000000e+00> : vector<1x128xf32>
    %dot_general3A_9 = tpu.matmul %mul3A, %get3A_8, %dot_general3A {dimension_numbers = #tpu.dot_dimension_numbers<[1], [0], [0], [1], [0, 0, 1, 1], [], []>, transpose_lhs_hint = false} : vector<1x10000xf32>, vector<10000x128xf32>, vector<1x128xf32> -> vector<1x128xf32>
    %get3A_10 = arith.constant 0 : index
    %get3A_11 = arith.constant 0 : index
    %get3A_12 = vector.load %arg3[%get3A_10, %get3A_11] : memref<128x64xf32, #tpu.memory_space<vmem>>, vector<128x64xf32>
    %dot_general3A_13 = arith.constant dense<0.000000e+00> : vector<1x64xf32>
    %dot_general3A_14 = tpu.matmul %dot_general3A_9, %get3A_12, %dot_general3A_13 {dimension_numbers = #tpu.dot_dimension_numbers<[1], [0], [0], [1], [0, 0, 1, 1], [], []>, transpose_lhs_hint = false} : vector<1x128xf32>, vector<128x64xf32>, vector<1x64xf32> -> vector<1x64xf32>
    %get3A_15 = arith.constant 0 : index
    %get3A_16 = arith.constant 0 : index
    %get3A_17 = vector.load %arg4[%get3A_15, %get3A_16] : memref<1x64xf32, #tpu.memory_space<vmem>>, vector<1x64xf32>
    %mul3A_18 = arith.constant 1.000000e+04 : f32
    %mul3A_19 = vector.broadcast %mul3A_18 : f32 to vector<1x64xf32>
    %mul3A_20 = arith.mulf %mul3A_19, %get3A_17 : vector<1x64xf32>
    %add3A_21 = arith.addf %dot_general3A_14, %mul3A_20 : vector<1x64xf32>
    %mul3A_22 = arith.constant 6.250000e-02 : f32
    %mul3A_23 = vector.broadcast %mul3A_22 : f32 to vector<1x64xf32>
    %mul3A_24 = arith.mulf %add3A_21, %mul3A_23 : vector<1x64xf32>
    %swap3A = arith.constant 0 : index
    %swap3A_25 = arith.constant 0 : index
    %swap3A_26 = vector.load %arg5[%swap3A, %swap3A_25] : memref<1x64xf32, #tpu.memory_space<vmem>>, vector<1x64xf32>
    tpu.vector_store %arg5[%swap3A, %swap3A_25], %mul3A_24 {strides = array<i32>} : memref<1x64xf32, #tpu.memory_space<vmem>>, vector<1x64xf32>,
    return
  }
}

module attributes {stable_mosaic.version = 14 : i64} {
  func.func @_dinv_body(%arg0: memref<32x10000xf32, #tpu.memory_space<vmem>>, %arg1: memref<10000xf32, #tpu.memory_space<vmem>>) attributes {dimension_semantics = [], scalar_prefetch = 0 : i64, scratch_operands = 0 : i64, tpu.core_type = #tpu.core_type<tc>} {
    %get3A = arith.constant 0 : index
    %get3A_0 = arith.constant 0 : index
    %get3A_1 = vector.load %arg0[%get3A, %get3A_0] : memref<32x10000xf32, #tpu.memory_space<vmem>>, vector<32x10000xf32>
    %reduce_sum3A = arith.constant dense<0.000000e+00> : vector<10000xf32>
    %reduce_sum3A_2 = vector.multi_reduction <add>, %get3A_1, %reduce_sum3A [0] : vector<32x10000xf32> to vector<10000xf32>
    %add3A = arith.constant 1.000000e+00 : f32
    %add3A_3 = vector.broadcast %add3A : f32 to vector<10000xf32>
    %add3A_4 = arith.addf %reduce_sum3A_2, %add3A_3 : vector<10000xf32>
    %rsqrt3A = math.rsqrt %add3A_4 : vector<10000xf32>
    %swap3A = arith.constant 0 : index
    %swap3A_5 = vector.load %arg1[%swap3A] : memref<10000xf32, #tpu.memory_space<vmem>>, vector<10000xf32>
    tpu.vector_store %arg1[%swap3A], %rsqrt3A {strides = array<i32>} : memref<10000xf32, #tpu.memory_space<vmem>>, vector<10000xf32>,
    return
  }
}

</mosaic_0001>

<sc_bundles>
// kernel: kernel.6.cloned.1.call-start
scs
__scs_entry_jumppad:
0x0: {  	(pc) =	sbr.rel $0x88, $3  }
0x1: {  	(tag) =	ssettag $0x0;
	lr =	simm.s32 $0x1  }
0x2: {  	[smem:$0x3F9D] =	sst lr;
	_ =	strace $0xD0000000  }
0x3: {  	_ = 	snop  }
0x4: {  	_ = 	snop  }
0x5: {  	_ = 	snop  }
0x6: {  	_ = 	snop  }
0x7: {  	_ = 	snop  }
__scs_overlays_trampoline_lowered:
0x8: {  	[smem:$0x3FAC] =	sst s0  }
0x9: {  	[smem:$0x3FAD] =	sst s1  }
0xa: {  	[smem:$0x3FAE] =	sst s2  }
0xb: {  	[smem:$0x3FAF] =	sst s3  }
0xc: {  	[smem:$0x3FB0] =	sst s4  }
0xd: {  	[smem:$0x3FB1] =	sst s5  }
0xe: {  	[smem:$0x3FB2] =	sst s6  }
0xf: {  	[smem:$0x3FB3] =	sst s7  }
0x10: {  	[smem:$0x3FB4] =	sst s8  }
0x11: {  	[smem:$0x3FB5] =	sst s9;
	s0 =	simm.s32 @!p0 $0x0  }
0x12: {  	s1 =	sld [smem:$0x3F9B];
	s0 =	simm.s32 @p0 $0x1  }
0x13: {  	[smem:$0x3FB6] =	sst s0;
	s0 =	simm.s32 @!p1 $0x0  }
0x14: {  	s2 =	sld [smem:$0x3F9A];
	s0 =	simm.s32 @p1 $0x1  }
0x15: {  	[smem:$0x3FB7] =	sst s0;
	s0 =	simm.s32 @!p2 $0x0  }
0x16: {  	s3 =	sld [smem:$0x3FDB];
	s0 =	simm.s32 @p2 $0x1  }
0x17: {  	s4 =	simm.s32 $0x1BF5;
	[smem:$0x3FB9] =	sst s0  }
0x18: {  	s0 =	sld [smem:$0x3F9C];
	_ =	swait.ge [sflag:s4], $0x0  }
0x19: {  	s7 =	sld [smem:$0x3F9D]  }
0x1a: {  	s8 =	sadd.s32 $0xFFFFE003, lr  }
0x1b: {  	s9 =	sadd.s32 $0xFFFFFEF7, lr;
	s5 =	simm.s32 $0xFFFFFFFF;
	p2 =	slt.u32 s8, $0xFFFFF086  }
0x1c: {  	p1 =	slt.u32 s9, $0xF7A;
	s5 =	simm.s32 @!p2 $0x0  }
0x1d: {  	s5 =	simm.s32 @p1 $0x1;
	p0 =	seq.s32 s7, s2  }
0x1e: {  	s7 =	smul.u32 @!p0 $0xF7A, s2;
	p2 =	seq.s32 @!p0 s5, $0x0  }
0x1f: {  	s9 =	smul.u32 $0xF7A, s1;
	s8 =	simm.s32 @!p0 $0x1BF5;
	p2 =	por !p2, p0  }
0x20: {  	[sflag:s8] =	ssyncset.s32 @!p0 $0xFFFFF086;
	s6 =	sadd.s32 @!p0 s3, s7;
	s7 =	simm.s32 @!p0 $0x108  }
0x21: {  	s3 =	sadd.s32 s3, s9;
	s6 =	sadd.s32 @!p0 $0x88, s6;
	s7 =	simm.s32 @p2 $0x1082  }
0x22: {  	[simem:s7], [sflag:s8] =	dma.local @!p0 [hbm:s6], $0xF7A  }
0x23: {  	s9 =	sor.u32 $0xD0000000, s2;
	s6 =	simm.s32 $0x108;
	_ =	swait.ge @!p0 [sflag:s8], $0x0  }
0x24: {  	s3 =	sadd.s32 $0x88, s3;
	s6 =	simm.s32 @!p1 $0x1082;
	[sflag:s4] =	ssyncset.s32 $0xFFFFF086  }
0x25: {  	[simem:s6], [sflag:s4] =	dma.local [hbm:s3], $0xF7A  }
0x26: {  	[smem:$0x3F9D] =	sst s1;
	(tag) =	ssettag s2;
	_ =	strace s9  }
0x27: {  	s1 =	sld [smem:$0x3FAD]  }
0x28: {  	s2 =	sld [smem:$0x3FAE]  }
0x29: {  	s4 =	sld [smem:$0x3FB0]  }
0x2a: {  	p0 =	seq.s32 s5, $0x0;
	s5 =	sld [smem:$0x3FB1]  }
0x2b: {  	s6 =	sld [smem:$0x3FB2]  }
0x2c: {  	s7 =	sld [smem:$0x3FB3]  }
0x2d: {  	s3 =	simm.s32 $0x108;
	s8 =	sld [smem:$0x3FB4]  }
0x2e: {  	s3 =	simm.s32 @!p0 $0x1082;
	s9 =	sld [smem:$0x3FB5]  }
0x2f: {  	lr =	sadd.s32 s0, s3;
	s0 =	sld [smem:$0x3FAC]  }
0x30: {  	s3 =	sld [smem:$0x3FAF]  }
0x31: {  	[smem:$0x3FB8] =	sst s10  }
0x32: {  	s10 =	sld [smem:$0x3FB6];
	_ =	sdelay $0x3  }
0x33: {  	p0 =	seq.s32 s10, $0x1;
	s10 =	sld [smem:$0x3FB8];
	_ =	sdelay $0x3  }
0x34: {  	[smem:$0x3FB8] =	sst s10  }
0x35: {  	s10 =	sld [smem:$0x3FB7];
	_ =	sdelay $0x3  }
0x36: {  	p1 =	seq.s32 s10, $0x1;
	s10 =	sld [smem:$0x3FB8];
	_ =	sdelay $0x3  }
0x37: {  	[smem:$0x3FB8] =	sst s10  }
0x38: {  	s10 =	sld [smem:$0x3FB9]  }
0x39: {  	_ = 	snop;
	(pc) =	sbr.ind lr, $3  }
0x3a: {  	_ = 	snop  }
0x3b: {  	_ = 	snop  }
0x3c: {  	p2 =	seq.s32 s10, $0x1;
	s10 =	sld [smem:$0x3FB8]  }
0x3d: {  	_ =	shalt  }
0x3e: {  	_ =	shalt  }
0x3f: {  	_ =	shalt  }
0x40: {  	_ =	shalt  }
0x41: {  	_ =	shalt  }
0x42: {  	_ =	shalt  }
0x43: {  	_ =	shalt  }
0x44: {  	_ =	shalt  }
0x45: {  	_ =	shalt  }
0x46: {  	_ =	shalt  }
0x47: {  	_ =	shalt  }
0x48: {  	_ =	shalt  }
0x49: {  	_ =	shalt  }
0x4a: {  	_ =	shalt  }
0x4b: {  	_ =	shalt  }
0x4c: {  	_ =	shalt  }
0x4d: {  	_ =	shalt  }
0x4e: {  	_ =	shalt  }
0x4f: {  	_ =	shalt  }
0x50: {  	_ =	shalt  }
0x51: {  	_ =	shalt  }
0x52: {  	_ =	shalt  }
0x53: {  	_ =	shalt  }
0x54: {  	_ =	shalt  }
0x55: {  	_ =	shalt  }
0x56: {  	_ =	shalt  }
0x57: {  	_ =	shalt  }
0x58: {  	_ =	shalt  }
0x59: {  	_ =	shalt  }
0x5a: {  	_ =	shalt  }
0x5b: {  	_ =	shalt  }
0x5c: {  	_ =	shalt  }
0x5d: {  	_ =	shalt  }
0x5e: {  	_ =	shalt  }
0x5f: {  	_ =	shalt  }
0x60: {  	_ =	shalt  }
0x61: {  	_ =	shalt  }
0x62: {  	_ =	shalt  }
0x63: {  	_ =	shalt  }
0x64: {  	_ =	shalt  }
0x65: {  	_ =	shalt  }
0x66: {  	_ =	shalt  }
0x67: {  	_ =	shalt  }
0x68: {  	_ =	shalt  }
0x69: {  	_ =	shalt  }
0x6a: {  	_ =	shalt  }
0x6b: {  	_ =	shalt  }
0x6c: {  	_ =	shalt  }
0x6d: {  	_ =	shalt  }
0x6e: {  	_ =	shalt  }
0x6f: {  	_ =	shalt  }
0x70: {  	_ =	shalt  }
0x71: {  	_ =	shalt  }
0x72: {  	_ =	shalt  }
0x73: {  	_ =	shalt  }
0x74: {  	_ =	shalt  }
0x75: {  	_ =	shalt  }
0x76: {  	_ =	shalt  }
0x77: {  	_ =	shalt  }
0x78: {  	_ =	shalt  }
0x79: {  	_ =	shalt  }
0x7a: {  	_ =	shalt  }
0x7b: {  	_ =	shalt  }
0x7c: {  	_ =	shalt  }
0x7d: {  	_ =	shalt  }
0x7e: {  	_ =	shalt  }
0x7f: {  	_ =	shalt  }
0x80: {  	_ =	shalt  }
0x81: {  	_ =	shalt  }
0x82: {  	_ =	shalt  }
0x83: {  	_ =	shalt  }
0x84: {  	_ =	shalt  }
0x85: {  	_ =	shalt  }
0x86: {  	_ =	shalt  }
0x87: {  	_ =	shalt  }
.Lfunc_end0:
.L_simem_size_0:
called_computation_lowered:
.L_overlay_start_0:
0x88: {  	s2 =	sld [smem:$0x3FD9]  }
0x89: {  	s3 =	sld [smem:$0x3FFE];
	_ =	sdelay $0x1  }
0x8a: {  	s1 =	srdreg.scid  }
0x8b: {  	s0 =	sand.u32 $0x1, s1  }
0x8c: {  	s17 =	sshll.u32 s0, $0xA;
	s2 =	sadd.s32 s3, s2  }
0x8d: {  	s2 =	sadd.s32 s2, s17  }
0x8e: {  	[smem:$0x3FC4] =	sst s2  }
0x8f: {  	_ = 	snop  }
0x90: {  	s2 =	sld [smem:$0x3FC8];
	(tm) =	ssettm $0x1  }
0x91: {  	s18 =	sld [smem:$0x3FFB];
	_ =	sdelay $0x3  }
0x92: {  	_ =	strace s18  }
0x93: {  	s3 =	sld [smem:$0x3FFC];
	_ =	sdelay $0x3  }
0x94: {  	_ =	strace s3  }
0x95: {  	s3 =	sld [smem:$0x3FFD];
	_ =	sdelay $0x3  }
0x96: {  	_ =	strace s3  }
0x97: {  	_ =	strace $0x8FFFFFFF  }
0x98: {  	s19 =	sld [smem:$0x3FDB];
	_ =	sdelay $0x1  }
0x99: {  	s4 =	simm.s32 $_scs_section_size  }
0x9a: {  	s5 =	simm.s32 $_size__tile_overlayer_lowered;
	s6 =	simm.s32 $_tile_overlayer_lowered  }
0x9b: {  	s22 =	simm.s32 $0x1BFF;
	s21 =	sshll.u32 s6, $0x1;
	s3 =	sadd.s32 s4, s19  }
0x9c: {  	s7 =	simm.s32 $0x0;
	s20 =	sshll.u32 s5, $0x1;
	s5 =	sadd.s32 s21, s3  }
0x9d: {  	[timem:s7], [sflag:s22] =	dma.local [hbm:s5], s20  }
0x9e: {  	_ =	swait.ge [sflag:s22], s20  }
0x9f: {  	s4 =	ssub.s32 $0x0, s20;
	[sflag:s22] =	ssyncset.done $0x0  }
0xa0: {  	[sflag:s22] =	ssyncadd.s32 s4;
	_ =	sdelay $0x1  }
0xa1: {  	s23 =	simm.s32 $0x1B8B  }
0xa2: {  	_ =	swait.ge [sflag:s23], $0x1  }
0xa3: {  	[sflag:s23] =	ssyncset.done $0x0  }
0xa4: {  	s25 =	simm.s32 $0x1B8E;
	s24 =	sld [smem:$0x3FFE];
	[sflag:s23] =	ssyncadd.s32 $0xFFFFFFFF  }
0xa5: {  	s26 =	simm.s32 $execute0_lowered;
	[smem:$0x3FD2] =	sst s25  }
0xa6: {  	s5 =	sshll.u32 s26, $0x1;
	_ =	strace $0x80000046;
	[dreg:$0x1] =	wrdreg $0xFFFFFFFF  }
0xa7: {  	s28 =	simm.s32 $_size_execute0_lowered;
	s3 =	sadd.s32 s3, s5;
	[dreg:$0x0] =	wrdreg $0x0  }
0xa8: {  	s5 =	sshll.u32 s28, $0x1;
	[dreg:$0x2] =	wrdreg s3  }
0xa9: {  	[dreg:$0x3] =	wrdreg s5  }
0xaa: {  	[dreg:$0x4] =	wrdreg $0xC0  }
0xab: {  	_ =	task [dreg:s7], $0x5FFFF  }
0xac: {  	[dreg:$0x1] =	wrdreg $0xFFFFFFFF  }
0xad: {  	[dreg:$0x0] =	wrdreg $0x60  }
0xae: {  	[dreg:$0x2] =	wrdreg s2  }
0xaf: {  	[dreg:$0x3] =	wrdreg s24  }
0xb0: {  	[dreg:$0x4] =	wrdreg $0x9  }
0xb1: {  	_ =	task.clear_ibuf [dreg:s7], $0x5FFFF;
	_ =	strace $0x90000046  }
0xb2: {  	s29 =	simm.s32 $0x9;
	_ =	strace $0x80000048  }
0xb3: {  	_ =	swait.ge [sflag:s29], $0x1  }
0xb4: {  	[sflag:s29] =	ssyncadd.s32 $0xFFFFFFFF  }
0xb5: {  	_ =	strace $0x90000048  }
0xb6: {  	_ =	sfence  }
0xb7: {  	s30 =	sld [smem:$0x0];
	_ =	sdelay $0x2  }
0xb8: {  	s31 =	sshll.u32 s1, $0xD;
	s1 =	sshrl.u32 s1, $0x2  }
0xb9: {  	s3 =	sand.u32 $0x4000, s31;
	s1 =	sadd.s32 s1, s30  }
0xba: {  	s0 =	sor.u32 s3, s0;
	s1 =	sshll.u32 s1, $0x11  }
0xbb: {  	s0 =	sor.u32 s1, s0  }
0xbc: {  	s0 =	sadd.s32 $0x8F2B, s0  }
0xbd: {  	[sflag:s0] =	ssyncadd.remote.s32 $0x1  }
0xbe: {  	_ =	sfence.sel $0xFFFF  }
0xbf: {  	[dreg:$0x0] =	wrdreg $0xFFFFFFFF;
	(pc) =	sbr.abs _section_cstart, $3  }
0xc0: {  	[dreg:$0x1] =	wrdreg $0xFFFFFFFF  }
0xc1: {  	_ =	task.clear_ibuf [dreg:s7], $0x2FFFF;
	_ =	strace $0x9FFFFFFF  }
0xc2: {  	(tm) =	ssettm $0x7FFFFFFF  }
0xc3: {  	_ =	shalt  }
tec
execute0_lowered:
.L_overlay_start_1:
0x0: {  	(tag) =	ssettag $0x1  }
0x1: {  	s0 =	srdreg.scid;
	s4 =	rddreg [dreg:$0x0]  }
0x2: {  	s5 =	rddreg [dreg:$0x1];
	s2 =	simm.s32 $0x0;
	s3 =	sand.u32 $0x1, s0  }
0x3: {  	s10 =	simm.s32 $0x400;
	s0 =	stileid.u32;
	s1 =	sshll.u32 s3, $0x4  }
0x4: {  	s11 =	simm.s32 $0x2;
	s12 =	simm.s32 $0x0;
	s9 =	sor.u32 s0, s1  }
0x5: {  	[smem:$0x7FF] =	sst s2;
	s7 =	sshll.u32 s0, $0x7;
	s1 =	sshrl.u32 s9, $0x3  }
0x6: {  	s3 =	ssub.s32 $0x2, s3;
	s8 =	sshll.u32 s0, $0x5;
	s6 =	smul.u32 $0x13C00, s1  }
0x7: {  	s7 =	sand.u32 $0x380, s7;
	s31 =	sshrl.u32 s3, $0x1;
	s8 =	sadd.s32 s8, s4  }
0x8: {  	s30 =	smul.u32 $0x9C0, s9;
	p0 =	sgt.u32 s9, $0x3;
	s6 =	sor.u32 s7, s6  }
0x9: {  	s9 =	simm.s32 $0x80;
	s1 =	rddreg [dreg:$0x2];
	s6 =	sshrl.u32 s6, $0x3  }
0xa: {  	_ =	strace $0x80000047;
	s7 =	simm.s32 $0x1;
	s5 =	sadd.s32 s6, s5  }
0xb: {  	s6 =	ssub.s32 s3, s31;
	s3 =	sadd.s32 s4, s30;
	s4 =	sadd.s32 $0x13800, s8  }
0xc: {  	v0 =	vimm.f32 $0.0e+00;
	v1 =	vimm.f32 $1.000000000e+00;
	s8 =	simm.s32 $0x4F00;
	s5 =	sadd.s32 $0x1C00, s5;
	s6 =	smax.u32 s6, $0x1  }
.LBB2_1:
0xd: {  	[tilespmem:s2], [sflag:$0x1] =	stream.linear.gather [hbm4b:s3+s2], $0x4E00, $0x38;
	[tilespmem:$0x7680] =	vst v63  }
0xe: {  	s13 =	simm.s32 $0x4F40  }
0xf: {  	[tilespmem:s13+$0xFFFFFFC0] =	vst v0  }
0x10: {  	[tilespmem:s13+$0x30] =	vst v0  }
0x11: {  	[tilespmem:s13+$0x20] =	vst v0  }
0x12: {  	[tilespmem:s13+$0x10] =	vst v0  }
0x13: {  	[tilespmem:s13+$0x0] =	vst v0  }
0x14: {  	[tilespmem:s13+$0xFFFFFFF0] =	vst v0  }
0x15: {  	s14 =	simm.s32 $0x0;
	[tilespmem:s13+$0xFFFFFFE0] =	vst v0  }
.LBB2_2:
0x16: {  	s14 =	sadd.s32 $0x8, s14;
	[tilespmem:s13+$0xFFFFFFD0] =	vst v0;
	s13 =	sadd.s32 $0x80, s13  }
0x17: {  	[tilespmem:s13+$0xFFFFFFC0] =	vst v0;
	p1 =	slt.u32 s14, $0x268  }
0x18: {  	[tilespmem:s13+$0x30] =	vst v0  }
.Ltmp0:
0x19: {  	[tilespmem:s13+$0x20] =	vst v0;
	(pc) =	sbr.rel @p1 .LBB2_2-.Ltmp0, $4  }
0x1a: {  	[tilespmem:s13+$0x10] =	vst v0  }
0x1b: {  	[tilespmem:s13+$0x0] =	vst v0  }
0x1c: {  	[tilespmem:s13+$0xFFFFFFF0] =	vst v0  }
0x1d: {  	[tilespmem:s13+$0xFFFFFFE0] =	vst v0  }
0x1e: {  	[tilespmem:s13+$0xFFFFFFD0] =	vst v0  }
0x1f: {  	[tilespmem:$0x7600] =	vst v0  }
0x20: {  	_ =	swait.ge [sflag:s7], $0x4E00  }
0x21: {  	[sflag:s7] =	ssyncset.done $0x0  }
0x22: {  	s13 =	simm.s32 $0xF0;
	[sflag:s7] =	ssyncadd.s32 $0xFFFFB200  }
0x23: {  	v3 =	vld [tilespmem:s13+$0xFFFFFF90]  }
0x24: {  	v4 =	vld [tilespmem:s13+$0x0]  }
0x25: {  	v5 =	vld [tilespmem:s13+$0xFFFFFFF0]  }
0x26: {  	v6 =	vld [tilespmem:s13+$0xFFFFFFE0]  }
0x27: {  	v7 =	vld [tilespmem:s13+$0xFFFFFFD0]  }
0x28: {  	v8 =	vld [tilespmem:s13+$0xFFFFFFC0]  }
0x29: {  	v9 =	vld [tilespmem:s13+$0xFFFFFFB0]  }
0x2a: {  	v2 =	vld [tilespmem:s13+$0xFFFFFFA0]  }
0x2b: {  	[tilespmem:v3+s8+$0x0] =	vst.idx.add.f32.msk $0xffff, v1  }
0x2c: {  	[tilespmem:v4+s8+$0x0] =	vst.idx.add.f32.msk $0xffff, v1  }
0x2d: {  	[tilespmem:v5+s8+$0x0] =	vst.idx.add.f32.msk $0xffff, v1  }
0x2e: {  	[tilespmem:v6+s8+$0x0] =	vst.idx.add.f32.msk $0xffff, v1  }
0x2f: {  	[tilespmem:v7+s8+$0x0] =	vst.idx.add.f32.msk $0xffff, v1  }
0x30: {  	[tilespmem:v8+s8+$0x0] =	vst.idx.add.f32.msk $0xffff, v1  }
0x31: {  	s14 =	simm.s32 $0x0;
	[tilespmem:v9+s8+$0x0] =	vst.idx.add.f32.msk $0xffff, v1  }
.LBB2_4:
0x32: {  	s14 =	sadd.s32 $0x8, s14;
	[tilespmem:v2+s8+$0x0] =	vst.idx.add.f32.msk $0xffff, v1;
	s13 =	sadd.s32 $0x100, s13  }
0x33: {  	v3 =	vld [tilespmem:s13+$0xFFFFFF90];
	p1 =	slt.u32 s14, $0x268  }
0x34: {  	v4 =	vld [tilespmem:s13+$0x0]  }
0x35: {  	v5 =	vld [tilespmem:s13+$0xFFFFFFF0]  }
0x36: {  	v6 =	vld [tilespmem:s13+$0xFFFFFFE0]  }
0x37: {  	v7 =	vld [tilespmem:s13+$0xFFFFFFD0]  }
0x38: {  	v8 =	vld [tilespmem:s13+$0xFFFFFFC0]  }
0x39: {  	v9 =	vld [tilespmem:s13+$0xFFFFFFB0]  }
0x3a: {  	v2 =	vld [tilespmem:s13+$0xFFFFFFA0]  }
0x3b: {  	[tilespmem:v3+s8+$0x0] =	vst.idx.add.f32.msk $0xffff, v1  }
0x3c: {  	[tilespmem:v4+s8+$0x0] =	vst.idx.add.f32.msk $0xffff, v1  }
.Ltmp1:
0x3d: {  	[tilespmem:v5+s8+$0x0] =	vst.idx.add.f32.msk $0xffff, v1;
	(pc) =	sbr.rel @p1 .LBB2_4-.Ltmp1, $4  }
0x3e: {  	[tilespmem:v6+s8+$0x0] =	vst.idx.add.f32.msk $0xffff, v1  }
0x3f: {  	[tilespmem:v7+s8+$0x0] =	vst.idx.add.f32.msk $0xffff, v1  }
0x40: {  	[tilespmem:v8+s8+$0x0] =	vst.idx.add.f32.msk $0xffff, v1  }
0x41: {  	[tilespmem:v9+s8+$0x0] =	vst.idx.add.f32.msk $0xffff, v1  }
0x42: {  	_ =	sdelay $0x3  }
0x43: {  	[tilespmem:v2+s8+$0x0] =	vst.idx.add.f32.msk $0xffff, v1;
	s13 =	simm.s32 @!p0 $0x0;
	s14 =	simm.s32 @!p0 $0x4E00  }
0x44: {  	[tilespmem:s14], [sflag:$0x2] =	stream.linear.gather @!p0 [hbm4b:s4+s13], $0x100, $0x38;
	[tilespmem:$0x7680] =	vst v63  }
0x45: {  	s13 =	simm.s32 @!p0 $0x2  }
0x46: {  	_ =	swait.ge @!p0 [sflag:s13], $0x100  }
0x47: {  	[sflag:s13] =	ssyncset.done @!p0 $0x0  }
0x48: {  	[sflag:s13] =	ssyncadd.s32 @!p0 $0xFFFFFF00  }
0x49: {  	v2 =	vld @!p0 [tilespmem:$0x4E80]  }
0x4a: {  	v3 =	vld @!p0 [tilespmem:$0x4E90]  }
0x4b: {  	v4 =	vld @!p0 [tilespmem:$0x4EA0]  }
0x4c: {  	v5 =	vld @!p0 [tilespmem:$0x4EB0]  }
0x4d: {  	v6 =	vld @!p0 [tilespmem:$0x4EC0]  }
0x4e: {  	v7 =	vld @!p0 [tilespmem:$0x4ED0]  }
0x4f: {  	v8 =	vld @!p0 [tilespmem:$0x4EE0]  }
0x50: {  	v9 =	vimm.f32 @!p0 $1.000000000e+00;
	s13 =	simm.s32 @!p0 $0x4F00;
	v10 =	vld @!p0 [tilespmem:$0x4EF0]  }
0x51: {  	[tilespmem:v2+s13+$0x0] =	vst.idx.add.f32.msk @!p0 $0xffff, v9  }
0x52: {  	[tilespmem:v3+s13+$0x0] =	vst.idx.add.f32.msk @!p0 $0xffff, v9  }
0x53: {  	[tilespmem:v4+s13+$0x0] =	vst.idx.add.f32.msk @!p0 $0xffff, v9  }
0x54: {  	[tilespmem:v5+s13+$0x0] =	vst.idx.add.f32.msk @!p0 $0xffff, v9  }
0x55: {  	[tilespmem:v6+s13+$0x0] =	vst.idx.add.f32.msk @!p0 $0xffff, v9  }
0x56: {  	s12 =	sadd.s32 $0x1, s12;
	[tilespmem:v7+s13+$0x0] =	vst.idx.add.f32.msk @!p0 $0xffff, v9  }
0x57: {  	p1 =	sne.s32 s12, s6;
	[tilespmem:v8+s13+$0x0] =	vst.idx.add.f32.msk @!p0 $0xffff, v9  }
.Ltmp2:
0x58: {  	[tilespmem:v10+s13+$0x0] =	vst.idx.add.f32.msk @!p0 $0xffff, v9;
	(pc) =	sbr.rel @p1 .LBB2_1-.Ltmp2, $4  }
0x59: {  	[hbm4b:s5+s9] =	stream.strided.scatter [tilespmem:s8], [sflag:$0x2], $0x2780, s10, s9, $0x38;
	[tilespmem:$0x7680] =	vst v63  }
0x5a: {  	_ =	swait.ge [sflag:s11], $0x2780  }
0x5b: {  	[sflag:s11] =	ssyncset.done $0x0  }
0x5c: {  	[sflag:s11] =	ssyncadd.s32 $0xFFFFD880  }
0x5d: {  	_ =	sfence.sel $0x180000  }
0x5e: {  	[bflag:$0x0] =	sbarrier.arrive $0xFFFF  }
0x5f: {  	p0 =	sne.s32 s0, $0x0;
	_ =	strace $0x90000047  }
0x60: {  	s0 =	sadd.s32 @!p0 $0x100000, s1;
	[bflag:$0x2] =	sbarrier.arrive $0xFFFF  }
0x61: {  	[sflag:s0] =	ssyncadd.tile.s32 @!p0 $0x1;
	_ =	shalt  }
.Lfunc_end2:
_tile_overlayer_lowered:
.L_overlay_start_2:
0x62: {  	(tag) =	ssettag $0x2  }
0x63: {  	s0 =	rddreg [dreg:$0x0];
	s2 =	stileid.u32  }
0x64: {  	s1 =	rddreg [dreg:$0x1];
	p0 =	sne.s32 s2, $0x0  }
0x65: {  	s3 =	rddreg [dreg:$0x2];
	[bflag:$0x3] =	sbarrier.arrive $0xFFFF;
	s2 =	simm.s32 @!p0 $0x1C02  }
0x66: {  	[timem:s3], [sflag:s2] =	dma.local @!p0 [hbm:s0], s1  }
0x67: {  	s0 =	simm.s32 @!p0 $0x2  }
0x68: {  	_ =	swait.ge @!p0 [sflag:s0], s1  }
0x69: {  	s1 =	ssub.s32 @!p0 $0x0, s1;
	[sflag:s0] =	ssyncset.done @!p0 $0x0  }
0x6a: {  	[sflag:s0] =	ssyncadd.s32 @!p0 s1  }
0x6b: {  	[bflag:$0x3] =	sbarrier.arrive $0xFFFF  }
0x6c: {  	_ =	shalt  }

// kernel: kernel.9.cloned.1.call-start
scs
__scs_entry_jumppad:
0x0: {  	(pc) =	sbr.rel $0x88, $3  }
0x1: {  	(tag) =	ssettag $0x0;
	lr =	simm.s32 $0x1  }
0x2: {  	[smem:$0x3F9D] =	sst lr;
	_ =	strace $0xD0000000  }
0x3: {  	_ = 	snop  }
0x4: {  	_ = 	snop  }
0x5: {  	_ = 	snop  }
0x6: {  	_ = 	snop  }
0x7: {  	_ = 	snop  }
__scs_overlays_trampoline_lowered:
0x8: {  	[smem:$0x3FAC] =	sst s0  }
0x9: {  	[smem:$0x3FAD] =	sst s1  }
0xa: {  	[smem:$0x3FAE] =	sst s2  }
0xb: {  	[smem:$0x3FAF] =	sst s3  }
0xc: {  	[smem:$0x3FB0] =	sst s4  }
0xd: {  	[smem:$0x3FB1] =	sst s5  }
0xe: {  	[smem:$0x3FB2] =	sst s6  }
0xf: {  	[smem:$0x3FB3] =	sst s7  }
0x10: {  	[smem:$0x3FB4] =	sst s8  }
0x11: {  	[smem:$0x3FB5] =	sst s9;
	s0 =	simm.s32 @!p0 $0x0  }
0x12: {  	s1 =	sld [smem:$0x3F9B];
	s0 =	simm.s32 @p0 $0x1  }
0x13: {  	[smem:$0x3FB6] =	sst s0;
	s0 =	simm.s32 @!p1 $0x0  }
0x14: {  	s2 =	sld [smem:$0x3F9A];
	s0 =	simm.s32 @p1 $0x1  }
0x15: {  	[smem:$0x3FB7] =	sst s0;
	s0 =	simm.s32 @!p2 $0x0  }
0x16: {  	s3 =	sld [smem:$0x3FDB];
	s0 =	simm.s32 @p2 $0x1  }
0x17: {  	s4 =	simm.s32 $0x1BF5;
	[smem:$0x3FB9] =	sst s0  }
0x18: {  	s0 =	sld [smem:$0x3F9C];
	_ =	swait.ge [sflag:s4], $0x0  }
0x19: {  	s7 =	sld [smem:$0x3F9D]  }
0x1a: {  	s8 =	sadd.s32 $0xFFFFE003, lr  }
0x1b: {  	s9 =	sadd.s32 $0xFFFFFEF7, lr;
	s5 =	simm.s32 $0xFFFFFFFF;
	p2 =	slt.u32 s8, $0xFFFFF086  }
0x1c: {  	p1 =	slt.u32 s9, $0xF7A;
	s5 =	simm.s32 @!p2 $0x0  }
0x1d: {  	s5 =	simm.s32 @p1 $0x1;
	p0 =	seq.s32 s7, s2  }
0x1e: {  	s7 =	smul.u32 @!p0 $0xF7A, s2;
	p2 =	seq.s32 @!p0 s5, $0x0  }
0x1f: {  	s9 =	smul.u32 $0xF7A, s1;
	s8 =	simm.s32 @!p0 $0x1BF5;
	p2 =	por !p2, p0  }
0x20: {  	[sflag:s8] =	ssyncset.s32 @!p0 $0xFFFFF086;
	s6 =	sadd.s32 @!p0 s3, s7;
	s7 =	simm.s32 @!p0 $0x108  }
0x21: {  	s3 =	sadd.s32 s3, s9;
	s6 =	sadd.s32 @!p0 $0x88, s6;
	s7 =	simm.s32 @p2 $0x1082  }
0x22: {  	[simem:s7], [sflag:s8] =	dma.local @!p0 [hbm:s6], $0xF7A  }
0x23: {  	s9 =	sor.u32 $0xD0000000, s2;
	s6 =	simm.s32 $0x108;
	_ =	swait.ge @!p0 [sflag:s8], $0x0  }
0x24: {  	s3 =	sadd.s32 $0x88, s3;
	s6 =	simm.s32 @!p1 $0x1082;
	[sflag:s4] =	ssyncset.s32 $0xFFFFF086  }
0x25: {  	[simem:s6], [sflag:s4] =	dma.local [hbm:s3], $0xF7A  }
0x26: {  	[smem:$0x3F9D] =	sst s1;
	(tag) =	ssettag s2;
	_ =	strace s9  }
0x27: {  	s1 =	sld [smem:$0x3FAD]  }
0x28: {  	s2 =	sld [smem:$0x3FAE]  }
0x29: {  	s4 =	sld [smem:$0x3FB0]  }
0x2a: {  	p0 =	seq.s32 s5, $0x0;
	s5 =	sld [smem:$0x3FB1]  }
0x2b: {  	s6 =	sld [smem:$0x3FB2]  }
0x2c: {  	s7 =	sld [smem:$0x3FB3]  }
0x2d: {  	s3 =	simm.s32 $0x108;
	s8 =	sld [smem:$0x3FB4]  }
0x2e: {  	s3 =	simm.s32 @!p0 $0x1082;
	s9 =	sld [smem:$0x3FB5]  }
0x2f: {  	lr =	sadd.s32 s0, s3;
	s0 =	sld [smem:$0x3FAC]  }
0x30: {  	s3 =	sld [smem:$0x3FAF]  }
0x31: {  	[smem:$0x3FB8] =	sst s10  }
0x32: {  	s10 =	sld [smem:$0x3FB6];
	_ =	sdelay $0x3  }
0x33: {  	p0 =	seq.s32 s10, $0x1;
	s10 =	sld [smem:$0x3FB8];
	_ =	sdelay $0x3  }
0x34: {  	[smem:$0x3FB8] =	sst s10  }
0x35: {  	s10 =	sld [smem:$0x3FB7];
	_ =	sdelay $0x3  }
0x36: {  	p1 =	seq.s32 s10, $0x1;
	s10 =	sld [smem:$0x3FB8];
	_ =	sdelay $0x3  }
0x37: {  	[smem:$0x3FB8] =	sst s10  }
0x38: {  	s10 =	sld [smem:$0x3FB9]  }
0x39: {  	_ = 	snop;
	(pc) =	sbr.ind lr, $3  }
0x3a: {  	_ = 	snop  }
0x3b: {  	_ = 	snop  }
0x3c: {  	p2 =	seq.s32 s10, $0x1;
	s10 =	sld [smem:$0x3FB8]  }
0x3d: {  	_ =	shalt  }
0x3e: {  	_ =	shalt  }
0x3f: {  	_ =	shalt  }
0x40: {  	_ =	shalt  }
0x41: {  	_ =	shalt  }
0x42: {  	_ =	shalt  }
0x43: {  	_ =	shalt  }
0x44: {  	_ =	shalt  }
0x45: {  	_ =	shalt  }
0x46: {  	_ =	shalt  }
0x47: {  	_ =	shalt  }
0x48: {  	_ =	shalt  }
0x49: {  	_ =	shalt  }
0x4a: {  	_ =	shalt  }
0x4b: {  	_ =	shalt  }
0x4c: {  	_ =	shalt  }
0x4d: {  	_ =	shalt  }
0x4e: {  	_ =	shalt  }
0x4f: {  	_ =	shalt  }
0x50: {  	_ =	shalt  }
0x51: {  	_ =	shalt  }
0x52: {  	_ =	shalt  }
0x53: {  	_ =	shalt  }
0x54: {  	_ =	shalt  }
0x55: {  	_ =	shalt  }
0x56: {  	_ =	shalt  }
0x57: {  	_ =	shalt  }
0x58: {  	_ =	shalt  }
0x59: {  	_ =	shalt  }
0x5a: {  	_ =	shalt  }
0x5b: {  	_ =	shalt  }
0x5c: {  	_ =	shalt  }
0x5d: {  	_ =	shalt  }
0x5e: {  	_ =	shalt  }
0x5f: {  	_ =	shalt  }
0x60: {  	_ =	shalt  }
0x61: {  	_ =	shalt  }
0x62: {  	_ =	shalt  }
0x63: {  	_ =	shalt  }
0x64: {  	_ =	shalt  }
0x65: {  	_ =	shalt  }
0x66: {  	_ =	shalt  }
0x67: {  	_ =	shalt  }
0x68: {  	_ =	shalt  }
0x69: {  	_ =	shalt  }
0x6a: {  	_ =	shalt  }
0x6b: {  	_ =	shalt  }
0x6c: {  	_ =	shalt  }
0x6d: {  	_ =	shalt  }
0x6e: {  	_ =	shalt  }
0x6f: {  	_ =	shalt  }
0x70: {  	_ =	shalt  }
0x71: {  	_ =	shalt  }
0x72: {  	_ =	shalt  }
0x73: {  	_ =	shalt  }
0x74: {  	_ =	shalt  }
0x75: {  	_ =	shalt  }
0x76: {  	_ =	shalt  }
0x77: {  	_ =	shalt  }
0x78: {  	_ =	shalt  }
0x79: {  	_ =	shalt  }
0x7a: {  	_ =	shalt  }
0x7b: {  	_ =	shalt  }
0x7c: {  	_ =	shalt  }
0x7d: {  	_ =	shalt  }
0x7e: {  	_ =	shalt  }
0x7f: {  	_ =	shalt  }
0x80: {  	_ =	shalt  }
0x81: {  	_ =	shalt  }
0x82: {  	_ =	shalt  }
0x83: {  	_ =	shalt  }
0x84: {  	_ =	shalt  }
0x85: {  	_ =	shalt  }
0x86: {  	_ =	shalt  }
0x87: {  	_ =	shalt  }
.Lfunc_end0:
.L_simem_size_0:
called_computation.1_lowered:
.L_overlay_start_0:
0x88: {  	s2 =	sld [smem:$0x3FD9]  }
0x89: {  	s3 =	sld [smem:$0x3FFE];
	_ =	sdelay $0x1  }
0x8a: {  	s1 =	srdreg.scid  }
0x8b: {  	s0 =	sand.u32 $0x1, s1  }
0x8c: {  	s17 =	sshll.u32 s0, $0xA;
	s2 =	sadd.s32 s3, s2  }
0x8d: {  	s2 =	sadd.s32 s2, s17  }
0x8e: {  	[smem:$0x3FC4] =	sst s2  }
0x8f: {  	_ = 	snop  }
0x90: {  	s2 =	sld [smem:$0x3FC8];
	(tm) =	ssettm $0x1  }
0x91: {  	s18 =	sld [smem:$0x3FFB];
	_ =	sdelay $0x3  }
0x92: {  	_ =	strace s18  }
0x93: {  	s3 =	sld [smem:$0x3FFC];
	_ =	sdelay $0x3  }
0x94: {  	_ =	strace s3  }
0x95: {  	s3 =	sld [smem:$0x3FFD];
	_ =	sdelay $0x3  }
0x96: {  	_ =	strace s3  }
0x97: {  	_ =	strace $0x8FFFFFFF  }
0x98: {  	s19 =	sld [smem:$0x3FDB];
	_ =	sdelay $0x1  }
0x99: {  	s4 =	simm.s32 $_scs_section_size  }
0x9a: {  	s5 =	simm.s32 $_size__tile_overlayer_lowered;
	s6 =	simm.s32 $_tile_overlayer_lowered  }
0x9b: {  	s22 =	simm.s32 $0x1BFF;
	s21 =	sshll.u32 s6, $0x1;
	s3 =	sadd.s32 s4, s19  }
0x9c: {  	s7 =	simm.s32 $0x0;
	s20 =	sshll.u32 s5, $0x1;
	s5 =	sadd.s32 s21, s3  }
0x9d: {  	[timem:s7], [sflag:s22] =	dma.local [hbm:s5], s20  }
0x9e: {  	_ =	swait.ge [sflag:s22], s20  }
0x9f: {  	s4 =	ssub.s32 $0x0, s20;
	[sflag:s22] =	ssyncset.done $0x0  }
0xa0: {  	[sflag:s22] =	ssyncadd.s32 s4;
	_ =	sdelay $0x1  }
0xa1: {  	s23 =	simm.s32 $0x1B8B  }
0xa2: {  	_ =	swait.ge [sflag:s23], $0x1  }
0xa3: {  	[sflag:s23] =	ssyncset.done $0x0  }
0xa4: {  	s25 =	simm.s32 $0x1B8E;
	s24 =	sld [smem:$0x3FFE];
	[sflag:s23] =	ssyncadd.s32 $0xFFFFFFFF  }
0xa5: {  	s26 =	simm.s32 $execute0_lowered;
	[smem:$0x3FD2] =	sst s25  }
0xa6: {  	s5 =	sshll.u32 s26, $0x1;
	_ =	strace $0x80000049;
	[dreg:$0x1] =	wrdreg $0xFFFFFFFF  }
0xa7: {  	s28 =	simm.s32 $_size_execute0_lowered;
	s3 =	sadd.s32 s3, s5;
	[dreg:$0x0] =	wrdreg $0x0  }
0xa8: {  	s5 =	sshll.u32 s28, $0x1;
	[dreg:$0x2] =	wrdreg s3  }
0xa9: {  	[dreg:$0x3] =	wrdreg s5  }
0xaa: {  	[dreg:$0x4] =	wrdreg $0xC0  }
0xab: {  	_ =	task [dreg:s7], $0x5FFFF  }
0xac: {  	[dreg:$0x1] =	wrdreg $0xFFFFFFFF  }
0xad: {  	[dreg:$0x0] =	wrdreg $0x60  }
0xae: {  	[dreg:$0x2] =	wrdreg s2  }
0xaf: {  	[dreg:$0x3] =	wrdreg s24  }
0xb0: {  	[dreg:$0x4] =	wrdreg $0x9  }
0xb1: {  	_ =	task.clear_ibuf [dreg:s7], $0x5FFFF;
	_ =	strace $0x90000049  }
0xb2: {  	s29 =	simm.s32 $0x9;
	_ =	strace $0x8000004B  }
0xb3: {  	_ =	swait.ge [sflag:s29], $0x1  }
0xb4: {  	[sflag:s29] =	ssyncadd.s32 $0xFFFFFFFF  }
0xb5: {  	_ =	strace $0x9000004B  }
0xb6: {  	_ =	sfence  }
0xb7: {  	s30 =	sld [smem:$0x0];
	_ =	sdelay $0x2  }
0xb8: {  	s31 =	sshll.u32 s1, $0xD;
	s1 =	sshrl.u32 s1, $0x2  }
0xb9: {  	s3 =	sand.u32 $0x4000, s31;
	s1 =	sadd.s32 s1, s30  }
0xba: {  	s0 =	sor.u32 s3, s0;
	s1 =	sshll.u32 s1, $0x11  }
0xbb: {  	s0 =	sor.u32 s1, s0  }
0xbc: {  	s0 =	sadd.s32 $0x8F2B, s0  }
0xbd: {  	[sflag:s0] =	ssyncadd.remote.s32 $0x1  }
0xbe: {  	_ =	sfence.sel $0xFFFF  }
0xbf: {  	[dreg:$0x0] =	wrdreg $0xFFFFFFFF;
	(pc) =	sbr.abs _section_cstart, $3  }
0xc0: {  	[dreg:$0x1] =	wrdreg $0xFFFFFFFF  }
0xc1: {  	_ =	task.clear_ibuf [dreg:s7], $0x2FFFF;
	_ =	strace $0x9FFFFFFF  }
0xc2: {  	(tm) =	ssettm $0x7FFFFFFF  }
0xc3: {  	_ =	shalt  }
tec
execute0_lowered:
.L_overlay_start_1:
0x0: {  	(tag) =	ssettag $0x1  }
0x1: {  	s5 =	rddreg [dreg:$0x0]  }
0x2: {  	s0 =	srdreg.scid;
	s6 =	rddreg [dreg:$0x1]  }
0x3: {  	s2 =	simm.s32 $0x0;
	s10 =	simm.s32 $0x7680;
	s4 =	sand.u32 $0x1, s0  }
0x4: {  	s12 =	simm.s32 $0x400;
	s0 =	stileid.u32;
	s1 =	sshll.u32 s4, $0x4  }
0x5: {  	s13 =	simm.s32 $0x0;
	[smem:$0x7FF] =	sst s2;
	s11 =	sor.u32 s0, s1  }
0x6: {  	s7 =	sshll.u32 s0, $0x7;
	s4 =	ssub.s32 $0x2, s4;
	s1 =	sshrl.u32 s11, $0x3  }
0x7: {  	s9 =	sshll.u32 s0, $0x5;
	s7 =	sand.u32 $0x380, s7;
	s3 =	smul.u32 $0x13C00, s1  }
0x8: {  	s31 =	sshrl.u32 s4, $0x1;
	s9 =	sadd.s32 s9, s5;
	s8 =	smul.u32 $0x9C0, s11  }
0x9: {  	p0 =	sgt.u32 s11, $0x3;
	s11 =	simm.s32 $0x80;
	s7 =	sor.u32 s7, s3  }
0xa: {  	s1 =	rddreg [dreg:$0x2];
	_ =	strace $0x8000004A;
	s7 =	sshrl.u32 s7, $0x3  }
0xb: {  	s3 =	sadd.s32 $0x1C00, s6;
	s6 =	sadd.s32 s7, s6;
	s7 =	ssub.s32 s4, s31  }
0xc: {  	s4 =	sadd.s32 s5, s8;
	s5 =	sadd.s32 $0x13800, s9;
	s8 =	simm.s32 $0x1  }
0xd: {  	v0 =	vimm.f32 $0.0e+00;
	s9 =	simm.s32 $0x2780;
	s6 =	sadd.s32 $0x2200, s6;
	s7 =	smax.u32 s7, $0x1  }
.LBB2_1:
0xe: {  	s14 =	simm.s32 $0x76C0  }
0xf: {  	[tilespmem:s14+$0xFFFFFFC0] =	vst v0  }
0x10: {  	[tilespmem:s14+$0x30] =	vst v0  }
0x11: {  	[tilespmem:s14+$0x20] =	vst v0  }
0x12: {  	[tilespmem:s14+$0x10] =	vst v0  }
0x13: {  	[tilespmem:s14+$0x0] =	vst v0  }
0x14: {  	[tilespmem:s14+$0xFFFFFFF0] =	vst v0  }
0x15: {  	s15 =	simm.s32 $0x0;
	[tilespmem:s14+$0xFFFFFFE0] =	vst v0  }
.LBB2_2:
0x16: {  	s15 =	sadd.s32 $0x8, s15;
	[tilespmem:s14+$0xFFFFFFD0] =	vst v0;
	s14 =	sadd.s32 $0x80, s14  }
0x17: {  	[tilespmem:s14+$0xFFFFFFC0] =	vst v0;
	p1 =	slt.u32 s15, $0x268  }
0x18: {  	[tilespmem:s14+$0x30] =	vst v0  }
.Ltmp0:
0x19: {  	[tilespmem:s14+$0x20] =	vst v0;
	(pc) =	sbr.rel @p1 .LBB2_2-.Ltmp0, $4  }
0x1a: {  	[tilespmem:s14+$0x10] =	vst v0  }
0x1b: {  	[tilespmem:s14+$0x0] =	vst v0  }
0x1c: {  	[tilespmem:s14+$0xFFFFFFF0] =	vst v0  }
0x1d: {  	[tilespmem:s14+$0xFFFFFFE0] =	vst v0  }
0x1e: {  	[tilespmem:s14+$0xFFFFFFD0] =	vst v0  }
0x1f: {  	[tilespmem:$0x9D80] =	vst v0  }
0x20: {  	[tilespmem:s2], [sflag:$0x1] =	stream.linear.gather [hbm4b:s3+s2], $0x2780, $0x38;
	[tilespmem:$0x9E00] =	vst v63  }
0x21: {  	_ =	swait.ge [sflag:s8], $0x2780  }
0x22: {  	[sflag:s8] =	ssyncset.done $0x0  }
0x23: {  	[sflag:s8] =	ssyncadd.s32 $0xFFFFD880  }
0x24: {  	[tilespmem:s9], [sflag:$0x1] =	stream.linear.gather [hbm4b:s4+s2], $0x4E00, $0x38;
	[tilespmem:$0x9E00] =	vst v63  }
0x25: {  	_ =	swait.ge [sflag:s8], $0x4E00  }
0x26: {  	[sflag:s8] =	ssyncset.done $0x0  }
0x27: {  	s31 =	simm.s32 $0x2800;
	[sflag:s8] =	ssyncadd.s32 $0xFFFFB200  }
0x28: {  	v1 =	vld [tilespmem:s31+$0x70]  }
0x29: {  	v2 =	vld [tilespmem:s31+$0x10]  }
0x2a: {  	v3 =	vld [tilespmem:s31+$0x20]  }
0x2b: {  	v4 =	vld [tilespmem:s31+$0x30]  }
0x2c: {  	v5 =	vld [tilespmem:s31+$0x40]  }
0x2d: {  	v6 =	vld [tilespmem:s31+$0x50]  }
0x2e: {  	v7 =	vld [tilespmem:s31+$0xFFFFFFF0]  }
0x2f: {  	v8 =	vld [tilespmem:s31+$0x60]  }
0x30: {  	v9 =	vld [tilespmem:s31+$0x0]  }
0x31: {  	v63 =	vld [tilespmem:s31+$0xFFFFFF80]  }
0x32: {  	v11 =	vld [tilespmem:s31+$0xFFFFFF90]  }
0x33: {  	v12 =	vld [tilespmem:s31+$0xFFFFFFA0]  }
0x34: {  	v13 =	vld [tilespmem:s31+$0xFFFFFFB0]  }
0x35: {  	v14 =	vld [tilespmem:s31+$0xFFFFFFC0]  }
0x36: {  	v15 =	vld [tilespmem:s31+$0xFFFFFFD0]  }
0x37: {  	v1 =	vld.idx.msk [tilespmem:v1+s2+$0x0], $0xffff  }
0x38: {  	v10 =	vld.idx.msk [tilespmem:v2+s2+$0x0], $0xffff  }
0x39: {  	v3 =	vld.idx.msk [tilespmem:v3+s2+$0x0], $0xffff  }
0x3a: {  	v4 =	vld.idx.msk [tilespmem:v4+s2+$0x0], $0xffff  }
0x3b: {  	v5 =	vld.idx.msk [tilespmem:v5+s2+$0x0], $0xffff  }
0x3c: {  	v62 =	vld.idx.msk [tilespmem:v9+s2+$0x0], $0xffff  }
0x3d: {  	v6 =	vld.idx.msk [tilespmem:v6+s2+$0x0], $0xffff  }
0x3e: {  	v2 =	vld [tilespmem:s31+$0xFFFFFFE0]  }
0x3f: {  	[tilespmem:v7+s10+$0x0] =	vst.idx.add.f32.msk $0xffff, v1  }
0x40: {  	v1 =	vld.idx.msk [tilespmem:v8+s2+$0x0], $0xffff  }
0x41: {  	[tilespmem:v63+s10+$0x0] =	vst.idx.add.f32.msk $0xffff, v62  }
0x42: {  	[tilespmem:v11+s10+$0x0] =	vst.idx.add.f32.msk $0xffff, v10  }
0x43: {  	[tilespmem:v12+s10+$0x0] =	vst.idx.add.f32.msk $0xffff, v3  }
0x44: {  	[tilespmem:v13+s10+$0x0] =	vst.idx.add.f32.msk $0xffff, v4  }
0x45: {  	[tilespmem:v14+s10+$0x0] =	vst.idx.add.f32.msk $0xffff, v5  }
0x46: {  	s14 =	simm.s32 $0x0;
	s15 =	simm.s32 $0x2900;
	[tilespmem:v15+s10+$0x0] =	vst.idx.add.f32.msk $0xffff, v6  }
.LBB2_4:
0x47: {  	v3 =	vld [tilespmem:s15+$0x70];
	s14 =	sadd.s32 $0x8, s14  }
0x48: {  	v4 =	vld [tilespmem:s15+$0x10];
	p1 =	slt.u32 s14, $0x268  }
0x49: {  	v5 =	vld [tilespmem:s15+$0x20]  }
0x4a: {  	v6 =	vld [tilespmem:s15+$0x30]  }
0x4b: {  	v7 =	vld [tilespmem:s15+$0x40]  }
0x4c: {  	v8 =	vld [tilespmem:s15+$0x50]  }
0x4d: {  	v9 =	vld [tilespmem:s15+$0xFFFFFFF0]  }
0x4e: {  	v10 =	vld [tilespmem:s15+$0x60]  }
0x4f: {  	v3 =	vld.idx.msk [tilespmem:v3+s2+$0x0], $0xffff  }
0x50: {  	v11 =	vld [tilespmem:s15+$0x0]  }
0x51: {  	v4 =	vld.idx.msk [tilespmem:v4+s2+$0x0], $0xffff  }
0x52: {  	v5 =	vld.idx.msk [tilespmem:v5+s2+$0x0], $0xffff  }
0x53: {  	v6 =	vld.idx.msk [tilespmem:v6+s2+$0x0], $0xffff  }
0x54: {  	v7 =	vld.idx.msk [tilespmem:v7+s2+$0x0], $0xffff  }
0x55: {  	[tilespmem:v9+s10+$0x0] =	vst.idx.add.f32.msk $0xffff, v3  }
0x56: {  	v3 =	vld.idx.msk [tilespmem:v8+s2+$0x0], $0xffff  }
0x57: {  	v8 =	vld.idx.msk [tilespmem:v10+s2+$0x0], $0xffff  }
0x58: {  	v9 =	vld.idx.msk [tilespmem:v11+s2+$0x0], $0xffff  }
0x59: {  	v10 =	vld [tilespmem:s15+$0xFFFFFF80]  }
0x5a: {  	v11 =	vld [tilespmem:s15+$0xFFFFFF90]  }
0x5b: {  	v12 =	vld [tilespmem:s15+$0xFFFFFFA0]  }
0x5c: {  	v13 =	vld [tilespmem:s15+$0xFFFFFFB0]  }
0x5d: {  	v14 =	vld [tilespmem:s15+$0xFFFFFFC0]  }
0x5e: {  	v15 =	vld [tilespmem:s15+$0xFFFFFFD0]  }
0x5f: {  	v16 =	vld [tilespmem:s15+$0xFFFFFFE0]  }
0x60: {  	[tilespmem:v2+s10+$0x0] =	vst.idx.add.f32.msk $0xffff, v1;
	v1 =	vmov v8  }
0x61: {  	[tilespmem:v10+s10+$0x0] =	vst.idx.add.f32.msk $0xffff, v9  }
.Ltmp1:
0x62: {  	[tilespmem:v11+s10+$0x0] =	vst.idx.add.f32.msk $0xffff, v4;
	(pc) =	sbr.rel @p1 .LBB2_4-.Ltmp1, $4  }
0x63: {  	[tilespmem:v12+s10+$0x0] =	vst.idx.add.f32.msk $0xffff, v5  }
0x64: {  	[tilespmem:v13+s10+$0x0] =	vst.idx.add.f32.msk $0xffff, v6;
	v2 =	vmov v16  }
0x65: {  	[tilespmem:v14+s10+$0x0] =	vst.idx.add.f32.msk $0xffff, v7  }
0x66: {  	s15 =	sadd.s32 $0x100, s15;
	[tilespmem:v15+s10+$0x0] =	vst.idx.add.f32.msk $0xffff, v3  }
0x67: {  	_ =	sdelay $0x3  }
0x68: {  	[tilespmem:v2+s10+$0x0] =	vst.idx.add.f32.msk $0xffff, v1;
	s14 =	simm.s32 @!p0 $0x0;
	s15 =	simm.s32 @!p0 $0x7580  }
0x69: {  	[tilespmem:s15], [sflag:$0x1] =	stream.linear.gather @!p0 [hbm4b:s5+s14], $0x100, $0x38;
	[tilespmem:$0x9E00] =	vst v63  }
0x6a: {  	s15 =	simm.s32 @!p0 $0x1  }
0x6b: {  	_ =	swait.ge @!p0 [sflag:s15], $0x100  }
0x6c: {  	[sflag:s15] =	ssyncset.done @!p0 $0x0  }
0x6d: {  	[sflag:s15] =	ssyncadd.s32 @!p0 $0xFFFFFF00  }
0x6e: {  	v1 =	vld @!p0 [tilespmem:$0x7600]  }
0x6f: {  	v2 =	vld @!p0 [tilespmem:$0x7610];
	_ =	sdelay $0x1  }
0x70: {  	v3 =	vld @!p0 [tilespmem:$0x7620];
	_ =	sdelay $0x1  }
0x71: {  	v4 =	vld @!p0 [tilespmem:$0x7580]  }
0x72: {  	v5 =	vld @!p0 [tilespmem:$0x7590]  }
0x73: {  	v6 =	vld @!p0 [tilespmem:$0x75A0]  }
0x74: {  	v1 =	vld.idx.msk @!p0 [tilespmem:v1+s14+$0x0], $0xffff  }
0x75: {  	v2 =	vld.idx.msk @!p0 [tilespmem:v2+s14+$0x0], $0xffff  }
0x76: {  	v7 =	vld @!p0 [tilespmem:$0x7630]  }
0x77: {  	v3 =	vld.idx.msk @!p0 [tilespmem:v3+s14+$0x0], $0xffff  }
0x78: {  	s15 =	simm.s32 @!p0 $0x7680;
	v8 =	vld @!p0 [tilespmem:$0x75D0]  }
0x79: {  	[tilespmem:v4+s15+$0x0] =	vst.idx.add.f32.msk @!p0 $0xffff, v1  }
0x7a: {  	[tilespmem:v5+s15+$0x0] =	vst.idx.add.f32.msk @!p0 $0xffff, v2  }
0x7b: {  	v1 =	vld @!p0 [tilespmem:$0x7640]  }
0x7c: {  	[tilespmem:v6+s15+$0x0] =	vst.idx.add.f32.msk @!p0 $0xffff, v3  }
0x7d: {  	v2 =	vld @!p0 [tilespmem:$0x75B0]  }
0x7e: {  	v4 =	vld @!p0 [tilespmem:$0x7650]  }
0x7f: {  	v5 =	vld @!p0 [tilespmem:$0x7660]  }
0x80: {  	v6 =	vld @!p0 [tilespmem:$0x7670]  }
0x81: {  	v3 =	vld.idx.msk @!p0 [tilespmem:v7+s14+$0x0], $0xffff  }
0x82: {  	v7 =	vld @!p0 [tilespmem:$0x75C0]  }
0x83: {  	v9 =	vld @!p0 [tilespmem:$0x75E0]  }
0x84: {  	v10 =	vld @!p0 [tilespmem:$0x75F0]  }
0x85: {  	v1 =	vld.idx.msk @!p0 [tilespmem:v1+s14+$0x0], $0xffff  }
0x86: {  	v4 =	vld.idx.msk @!p0 [tilespmem:v4+s14+$0x0], $0xffff  }
0x87: {  	v5 =	vld.idx.msk @!p0 [tilespmem:v5+s14+$0x0], $0xffff  }
0x88: {  	v6 =	vld.idx.msk @!p0 [tilespmem:v6+s14+$0x0], $0xffff  }
0x89: {  	[tilespmem:v2+s15+$0x0] =	vst.idx.add.f32.msk @!p0 $0xffff, v3  }
0x8a: {  	[tilespmem:v7+s15+$0x0] =	vst.idx.add.f32.msk @!p0 $0xffff, v1  }
0x8b: {  	s13 =	sadd.s32 $0x1, s13;
	[tilespmem:v8+s15+$0x0] =	vst.idx.add.f32.msk @!p0 $0xffff, v4  }
0x8c: {  	p1 =	sne.s32 s13, s7;
	[tilespmem:v9+s15+$0x0] =	vst.idx.add.f32.msk @!p0 $0xffff, v5  }
.Ltmp2:
0x8d: {  	[tilespmem:v10+s15+$0x0] =	vst.idx.add.f32.msk @!p0 $0xffff, v6;
	(pc) =	sbr.rel @p1 .LBB2_1-.Ltmp2, $4  }
0x8e: {  	[hbm4b:s6+s11] =	stream.strided.scatter [tilespmem:s10], [sflag:$0x1], $0x2780, s12, s11, $0x38;
	[tilespmem:$0x9E00] =	vst v63  }
0x8f: {  	_ =	swait.ge [sflag:s8], $0x2780  }
0x90: {  	[sflag:s8] =	ssyncset.done $0x0  }
0x91: {  	[sflag:s8] =	ssyncadd.s32 $0xFFFFD880  }
0x92: {  	_ =	sfence.sel $0x180000  }
0x93: {  	[bflag:$0x0] =	sbarrier.arrive $0xFFFF  }
0x94: {  	p0 =	sne.s32 s0, $0x0;
	_ =	strace $0x9000004A  }
0x95: {  	s0 =	sadd.s32 @!p0 $0x100000, s1;
	[bflag:$0x2] =	sbarrier.arrive $0xFFFF  }
0x96: {  	[sflag:s0] =	ssyncadd.tile.s32 @!p0 $0x1;
	_ =	shalt  }
.Lfunc_end2:
_tile_overlayer_lowered:
.L_overlay_start_2:
0x97: {  	(tag) =	ssettag $0x2  }
0x98: {  	s0 =	rddreg [dreg:$0x0];
	s2 =	stileid.u32  }
0x99: {  	s1 =	rddreg [dreg:$0x1];
	p0 =	sne.s32 s2, $0x0  }
0x9a: {  	s3 =	rddreg [dreg:$0x2];
	[bflag:$0x3] =	sbarrier.arrive $0xFFFF;
	s2 =	simm.s32 @!p0 $0x1C01  }
0x9b: {  	[timem:s3], [sflag:s2] =	dma.local @!p0 [hbm:s0], s1  }
0x9c: {  	s0 =	simm.s32 @!p0 $0x1  }
0x9d: {  	_ =	swait.ge @!p0 [sflag:s0], s1  }
0x9e: {  	s1 =	ssub.s32 @!p0 $0x0, s1;
	[sflag:s0] =	ssyncset.done @!p0 $0x0  }
0x9f: {  	[sflag:s0] =	ssyncadd.s32 @!p0 s1  }
0xa0: {  	[bflag:$0x3] =	sbarrier.arrive $0xFFFF  }
0xa1: {  	_ =	shalt  }

</sc_bundles>
